<compile_context>
chip_gen: v7x
topology: tpu7x:2x2x1
jax: 0.10.2.dev20260603
libtpu: 0.0.44.dev20260713+nightly
codegen_flags: <defaults>
</compile_context>

<pallas_src>
import functools

import jax
import jax.numpy as jnp
from jax import lax
from jax.experimental import pallas as pl
from jax.experimental.pallas import tpu as pltpu
from jax.experimental.pallas import tpu_sc as plsc

_BS = 8
_H = 64
_W = 64
_HW = _H * _W
_N = 1024
_R = 96.0
_RMIN = 8.0
_CPOINT = 8.0
_BIG = 3.0e38


def _tc_body(cy_ref, cx_ref, den_ref, pts_ref, d_ref, j_ref, g_ref, s_ref):
    cy = cy_ref[...]
    cx = cx_ref[...]

    def body(i, carry):
        ck, cb = carry
        b2 = i * 32
        stack = []
        for k in range(16):
            py = pts_ref[0, 0, b2 + 2 * k]
            px = pts_ref[0, 0, b2 + 2 * k + 1]
            dy = cy - py
            dx = cx - px
            key = dx * dx + (dy * dy + (k * 0.03125))
            lvl = 0
            while stack and stack[-1][0] == lvl:
                _, ka = stack.pop()
                key = jnp.minimum(ka, key)
                lvl += 1
            stack.append((lvl, key))
        bk = stack[0][1]
        upd = bk < ck - 1.0
        return jnp.where(upd, bk, ck), jnp.where(upd, i, cb)

    ck, cb = lax.fori_loop(
        0, _N // 16, body,
        (jnp.full((32, 128), jnp.inf, jnp.float32),
         jnp.zeros((32, 128), jnp.int32)))

    fl = jnp.floor(ck)
    kf = (ck - fl - 0.5) * 32.0
    dmin2 = fl + 0.5
    jmin = cb * 16 + kf.astype(jnp.int32)
    d_ref[0] = jnp.sqrt(dmin2)
    j_ref[0] = jmin
    a = den_ref[0]
    relu = jnp.maximum(a, 0.0)
    l1p = jnp.log1p(jnp.exp(-jnp.abs(a)))
    sp_a = relu + l1p
    sp_na = relu - a + l1p
    g_ref[0] = 2.0 * sp_na - sp_a
    s_ref[0, 0, 0] = jnp.sum(sp_a)


def _tc_stage(cy, cx, den, pts):
    return pl.pallas_call(
        _tc_body,
        grid=(_BS,),
        in_specs=[
            pl.BlockSpec((32, 128), lambda i: (0, 0)),
            pl.BlockSpec((32, 128), lambda i: (0, 0)),
            pl.BlockSpec((1, 32, 128), lambda i: (i, 0, 0)),
            pl.BlockSpec((1, 1, 2 * _N), lambda i: (i, 0, 0),
                         memory_space=pltpu.SMEM),
        ],
        out_specs=[
            pl.BlockSpec((1, 32, 128), lambda i: (i, 0, 0)),
            pl.BlockSpec((1, 32, 128), lambda i: (i, 0, 0)),
            pl.BlockSpec((1, 32, 128), lambda i: (i, 0, 0)),
            pl.BlockSpec((1, 1, 1), lambda i: (i, 0, 0),
                         memory_space=pltpu.SMEM),
        ],
        out_shape=[
            jax.ShapeDtypeStruct((_BS, 32, 128), jnp.float32),
            jax.ShapeDtypeStruct((_BS, 32, 128), jnp.int32),
            jax.ShapeDtypeStruct((_BS, 32, 128), jnp.float32),
            jax.ShapeDtypeStruct((_BS, 1, 1), jnp.float32),
        ],
    )(cy, cx, den, pts)


def _sc_body(d_hbm, a_hbm, j_hbm, g_hbm, zero_hbm, big_hbm, corr_hbm,
             d_v, a_v, j_v, g_v, maxca_v, maxc_v, smina_v, bha_v, bga_v,
             corr_v):
    cid = lax.axis_index("c")
    sid = lax.axis_index("s")
    w = sid * 2 + cid

    @pl.when(w < _BS)
    def _():
        i = w
        pltpu.sync_copy(d_hbm.at[i], d_v)
        pltpu.sync_copy(a_hbm.at[i], a_v)
        pltpu.sync_copy(j_hbm.at[i], j_v)
        pltpu.sync_copy(g_hbm.at[i], g_v)
        pltpu.sync_copy(zero_hbm, maxca_v)
        pltpu.sync_copy(big_hbm, smina_v)

        lanes = lax.iota(jnp.int32, 16)
        laneoff = lanes * _N

        def pass_a(cix, c):
            base = cix * 16
            dv = d_v[pl.ds(base, 16)]
            jv = j_v[pl.ds(base, 16)]
            matched = dv < _R
            idx = jv + laneoff
            cur = plsc.load_gather(maxca_v, [idx])
            plsc.store_scatter(maxca_v, [idx], jnp.maximum(cur, dv),
                               mask=matched)
            return c

        lax.fori_loop(0, _HW // 16, pass_a, 0)

        def merge_a(k, c):
            base = k * 16
            m = maxca_v[pl.ds(base, 16)]
            for l in range(1, 16):
                m = jnp.maximum(m, maxca_v[pl.ds(l * _N + base, 16)])
            maxc_v[pl.ds(base, 16)] = jnp.minimum(
                jnp.maximum(m, _RMIN), _R)
            return c

        lax.fori_loop(0, _N // 16, merge_a, 0)

        def pass_b(cix, c):
            base = cix * 16
            dv = d_v[pl.ds(base, 16)]
            jv = j_v[pl.ds(base, 16)]
            av = a_v[pl.ds(base, 16)]
            gv = g_v[pl.ds(base, 16)]
            matched = dv < _R
            mc = plsc.load_gather(maxc_v, [jv])
            sv = (dv / mc) * _CPOINT - av
            pv = base + lanes
            idx = jv + laneoff
            cur_s = plsc.load_gather(smina_v, [idx])
            cur_h = plsc.load_gather(bha_v, [idx])
            better = (sv < cur_s) | ((sv == cur_s) & (pv < cur_h))
            wr = matched & better
            plsc.store_scatter(smina_v, [idx], sv, mask=wr)
            plsc.store_scatter(bha_v, [idx], pv, mask=wr)
            plsc.store_scatter(bga_v, [idx], gv, mask=wr)
            return c

        lax.fori_loop(0, _HW // 16, pass_b, 0)

        def pass_c(k, acc):
            base = k * 16
            s = smina_v[pl.ds(base, 16)]
            h = bha_v[pl.ds(base, 16)]
            g = bga_v[pl.ds(base, 16)]
            for l in range(1, 16):
                s2 = smina_v[pl.ds(l * _N + base, 16)]
                h2 = bha_v[pl.ds(l * _N + base, 16)]
                g2 = bga_v[pl.ds(l * _N + base, 16)]
                t = (s2 < s) | ((s2 == s) & (h2 < h))
                s = jnp.where(t, s2, s)
                h = jnp.where(t, h2, h)
                g = jnp.where(t, g2, g)
            return acc + jnp.where(s < 1.0e38, g, 0.0)

        corr = lax.fori_loop(0, _N // 16, pass_c,
                             jnp.zeros((16,), jnp.float32))
        corr_v[...] = corr
        pltpu.sync_copy(corr_v, corr_hbm.at[i])


def _sc_stage(d, a, j, g):
    mesh = plsc.VectorSubcoreMesh(core_axis_name="c", subcore_axis_name="s")
    zero = jnp.zeros((16 * _N,), jnp.float32)
    big = jnp.full((16 * _N,), _BIG, jnp.float32)
    f = pl.kernel(
        _sc_body,
        mesh=mesh,
        compiler_params=pltpu.CompilerParams(needs_layout_passes=False),
        out_type=jax.ShapeDtypeStruct((_BS, 16), jnp.float32),
        scratch_types=[
            pltpu.VMEM((_HW,), jnp.float32),
            pltpu.VMEM((_HW,), jnp.float32),
            pltpu.VMEM((_HW,), jnp.int32),
            pltpu.VMEM((_HW,), jnp.float32),
            pltpu.VMEM((16 * _N,), jnp.float32),
            pltpu.VMEM((_N,), jnp.float32),
            pltpu.VMEM((16 * _N,), jnp.float32),
            pltpu.VMEM((16 * _N,), jnp.int32),
            pltpu.VMEM((16 * _N,), jnp.float32),
            pltpu.VMEM((16,), jnp.float32),
        ],
    )
    return f(d, a, j, g, zero, big)


def kernel(density, points_list, down_rate):
    if density.ndim == 4:
        density = density[:, 0]
    den = density.astype(jnp.float32).reshape(_BS, 32, 128)
    pts = points_list.astype(jnp.float32).reshape(_BS, 1, 2 * _N)
    drf = jnp.asarray(down_rate, jnp.float32)
    p = jnp.arange(_HW, dtype=jnp.int32)
    yy = (p // _W).astype(jnp.float32)
    xx = (p % _W).astype(jnp.float32)
    cy = (yy * drf + (drf - 1.0) / 2.0).reshape(32, 128)
    cx = (xx * drf + (drf - 1.0) / 2.0).reshape(32, 128)

    d, j, g, s = _tc_stage(cy, cx, den, pts)
    corr16 = _sc_stage(d.reshape(_BS, _HW), den.reshape(_BS, _HW),
                       j.reshape(_BS, _HW), g.reshape(_BS, _HW))
    corr = jnp.sum(corr16, axis=1)
    return jnp.mean((s.reshape(_BS) + corr) / float(_HW))

# --- scband reference (transcript-rebuilt; emitter-appended) ---
"""Pipeline reference for scband-p2-rloss-original-30502857736741 (READ-ONLY COPY).

The authoritative reference and input builder live on the scoring server;
editing this copy changes nothing except your own understanding.
"""

import jax, jax.numpy as jnp
import numpy as np

FACTOR = 1
MIN_RADIUS = 8
MAX_RADIUS = 96
COST_CLASS = 1
COST_POINT = 8


def setup_inputs(seed: int = 0):
    key = jax.random.key(seed)
    k1, k2 = jax.random.split(key)
    density = jax.random.normal(k1, (8, 64, 64), dtype=jnp.float32)
    points_list = jax.random.randint(k2, (8, 1024, 2), 0, 512)
    return {"density": density, "points_list": points_list, "down_rate": 8}


def _targets(den, seq, down_rate):
    # den: [H, W] (treated as detached / no_grad in the original), seq: [N, 2] int coords (y, x)
    H, W = den.shape
    HW = H * W
    gy, gx = jnp.meshgrid(jnp.arange(H), jnp.arange(W), indexing='ij')
    A_coord = jnp.stack([gy, gx], axis=-1).reshape(1, -1, 2).astype(jnp.float32)
    A_coord = A_coord * down_rate + (down_rate - 1) / 2.0
    A = den.reshape(1, -1, 1)
    B_coord = seq[None, :, :2].astype(jnp.float32)
    N = seq.shape[0]
    # L2Distance cost: [1, HW, N]
    C = jnp.linalg.norm(A_coord[:, :, None, :] - B_coord[:, None, :, :], axis=-1) / FACTOR
    minC = jnp.min(C, axis=-1, keepdims=True)
    mcidx = jnp.argmin(C, axis=-1)
    M = jax.nn.one_hot(mcidx, N, dtype=C.dtype)
    M = M * (C < MAX_RADIUS).astype(C.dtype)
    maxC = jnp.max(minC * M, axis=1, keepdims=True)  # [1, 1, N]
    maxC = jnp.clip(maxC, MIN_RADIUS, MAX_RADIUS)
    C_norm = C / maxC
    C_cost = C_norm * COST_POINT - A * COST_CLASS
    valid = jnp.sum(M, axis=1) > 0  # [1, N]; torch filters invalid columns, we mask instead (equivalent)
    cmax = jnp.max(jnp.where(valid[:, None, :], C_cost, -jnp.inf))
    C2 = M * C_cost + (1.0 - M) * (cmax + 1.0)
    mcidx2 = jnp.argmin(C2, axis=1)  # [1, N]
    oh = jax.nn.one_hot(mcidx2, HW, dtype=C2.dtype)  # [1, N, HW]
    counts = jnp.sum(oh * valid[..., None].astype(oh.dtype), axis=1)  # [1, HW]
    T = (counts > 0.5).astype(jnp.float32).reshape(1, HW, 1)
    Wt = T + 1.0
    return T, Wt


def _bce_with_logits(a, t, w):
    return jnp.mean(w * (jnp.maximum(a, 0.0) - a * t + jnp.log1p(jnp.exp(-jnp.abs(a)))))


def reference(density, points_list, down_rate):
    if density.ndim == 4:
        density = density[:, 0]
    bs = points_list.shape[0]
    total = 0.0
    for i in range(bs):
        den = density[i]
        T, Wt = _targets(den, points_list[i], down_rate)
        A = den.reshape(1, -1, 1)
        total = total + _bce_with_logits(A, T, Wt)
    return total / bs

if __name__ == "__main__":
    import jax
    _d = setup_inputs()
    print(jax.jit(kernel)(*tuple(_d.values())))

</pallas_src>

<mosaic_0001>
#map = affine_map<(d0, d1) -> (0, 0)>
#map1 = affine_map<(d0, d1) -> (0)>
module attributes {stable_mosaic.version = 14 : i64} {
  func.func @_sc_body(%arg0: i32, %arg1: i32, %arg2: memref<8x4096xf32, #tpu.memory_space<hbm>>, %arg3: memref<8x4096xf32, #tpu.memory_space<hbm>>, %arg4: memref<8x4096xi32, #tpu.memory_space<hbm>>, %arg5: memref<8x4096xf32, #tpu.memory_space<hbm>>, %arg6: memref<16384xf32, #tpu.memory_space<hbm>>, %arg7: memref<16384xf32, #tpu.memory_space<hbm>>, %arg8: memref<8x16xf32, #tpu.memory_space<hbm>>, %arg9: memref<4096xf32, #tpu.memory_space<vmem>>, %arg10: memref<4096xf32, #tpu.memory_space<vmem>>, %arg11: memref<4096xi32, #tpu.memory_space<vmem>>, %arg12: memref<4096xf32, #tpu.memory_space<vmem>>, %arg13: memref<16384xf32, #tpu.memory_space<vmem>>, %arg14: memref<1024xf32, #tpu.memory_space<vmem>>, %arg15: memref<16384xf32, #tpu.memory_space<vmem>>, %arg16: memref<16384xi32, #tpu.memory_space<vmem>>, %arg17: memref<16384xf32, #tpu.memory_space<vmem>>, %arg18: memref<16xf32, #tpu.memory_space<vmem>>) attributes {dimension_semantics = [#tpu.dimension_semantics<core_parallel>, #tpu.dimension_semantics<subcore_parallel>], iteration_bounds = array<i64: 2, 16>, scalar_prefetch = 0 : i64, scratch_operands = 10 : i64, tpu.core_type = #tpu.core_type<sc_vector_subcore>, window_params = [{transform_indices = #map}, {transform_indices = #map}, {transform_indices = #map}, {transform_indices = #map}, {transform_indices = #map1}, {transform_indices = #map1}, {transform_indices = #map}]} {
    %mul3A = arith.constant 2 : i32
    %mul3A_0 = arith.muli %arg1, %mul3A : i32
    %add3A = arith.addi %mul3A_0, %arg0 : i32
    %lt3A = arith.constant 8 : i32
    %lt3A_1 = arith.cmpi slt, %add3A, %lt3A : i32
    %convert_element_type3A = arith.extui %lt3A_1 : i1 to i32
    %cond3A = arith.constant 0 : i32
    %cond3A_2 = arith.cmpi ne, %convert_element_type3A, %cond3A : i32
    scf.if %cond3A_2 {
      "tpu.region"() ({
        %run_scoped3A = tpu.sem_alloc : memref<!tpu.dma_semaphore, #tpu.memory_space<semaphore_mem>>
        %dma_start3A = arith.constant 0 : i32
        %dma_start3A_31 = tpu.memref_slice %arg2[%add3A, %dma_start3A] : memref<8x4096xf32, #tpu.memory_space<hbm>> -> memref<1x4096xf32, #tpu.memory_space<hbm>>
        %dma_start3A_32 = tpu.memref_squeeze %dma_start3A_31 : memref<1x4096xf32, #tpu.memory_space<hbm>> -> memref<4096xf32, #tpu.memory_space<hbm>>
        %dma_start3A_33 = arith.constant 0 : i32
        %dma_start3A_34 = tpu.memref_slice %arg2[%add3A, %dma_start3A_33] : memref<8x4096xf32, #tpu.memory_space<hbm>> -> memref<1x4096xf32, #tpu.memory_space<hbm>>
        %dma_start3A_35 = tpu.memref_squeeze %dma_start3A_34 : memref<1x4096xf32, #tpu.memory_space<hbm>> -> memref<4096xf32, #tpu.memory_space<hbm>>
        tpu.enqueue_dma source(%dma_start3A_35 : memref<4096xf32, #tpu.memory_space<hbm>>) target(%arg9 : memref<4096xf32, #tpu.memory_space<vmem>>) target_semaphore(%run_scoped3A : memref<!tpu.dma_semaphore, #tpu.memory_space<semaphore_mem>>)
        %dma_wait3A = arith.constant 0 : i32
        %dma_wait3A_36 = tpu.memref_slice %arg2[%add3A, %dma_wait3A] : memref<8x4096xf32, #tpu.memory_space<hbm>> -> memref<1x4096xf32, #tpu.memory_space<hbm>>
        %dma_wait3A_37 = tpu.memref_squeeze %dma_wait3A_36 : memref<1x4096xf32, #tpu.memory_space<hbm>> -> memref<4096xf32, #tpu.memory_space<hbm>>
        %dma_wait3A_38 = arith.constant 0 : i32
        %dma_wait3A_39 = tpu.memref_slice %arg2[%add3A, %dma_wait3A_38] : memref<8x4096xf32, #tpu.memory_space<hbm>> -> memref<1x4096xf32, #tpu.memory_space<hbm>>
        %dma_wait3A_40 = tpu.memref_squeeze %dma_wait3A_39 : memref<1x4096xf32, #tpu.memory_space<hbm>> -> memref<4096xf32, #tpu.memory_space<hbm>>
        tpu.wait_dma2 semaphore(%run_scoped3A : memref<!tpu.dma_semaphore, #tpu.memory_space<semaphore_mem>>) src(%dma_wait3A_40 : memref<4096xf32, #tpu.memory_space<hbm>>) dst(%arg9 : memref<4096xf32, #tpu.memory_space<vmem>>)
        tpu.yield
      }) : () -> ()
      "tpu.region"() ({
        %run_scoped3A = tpu.sem_alloc : memref<!tpu.dma_semaphore, #tpu.memory_space<semaphore_mem>>
        %dma_start3A = arith.constant 0 : i32
        %dma_start3A_31 = tpu.memref_slice %arg3[%add3A, %dma_start3A] : memref<8x4096xf32, #tpu.memory_space<hbm>> -> memref<1x4096xf32, #tpu.memory_space<hbm>>
        %dma_start3A_32 = tpu.memref_squeeze %dma_start3A_31 : memref<1x4096xf32, #tpu.memory_space<hbm>> -> memref<4096xf32, #tpu.memory_space<hbm>>
        %dma_start3A_33 = arith.constant 0 : i32
        %dma_start3A_34 = tpu.memref_slice %arg3[%add3A, %dma_start3A_33] : memref<8x4096xf32, #tpu.memory_space<hbm>> -> memref<1x4096xf32, #tpu.memory_space<hbm>>
        %dma_start3A_35 = tpu.memref_squeeze %dma_start3A_34 : memref<1x4096xf32, #tpu.memory_space<hbm>> -> memref<4096xf32, #tpu.memory_space<hbm>>
        tpu.enqueue_dma source(%dma_start3A_35 : memref<4096xf32, #tpu.memory_space<hbm>>) target(%arg10 : memref<4096xf32, #tpu.memory_space<vmem>>) target_semaphore(%run_scoped3A : memref<!tpu.dma_semaphore, #tpu.memory_space<semaphore_mem>>)
        %dma_wait3A = arith.constant 0 : i32
        %dma_wait3A_36 = tpu.memref_slice %arg3[%add3A, %dma_wait3A] : memref<8x4096xf32, #tpu.memory_space<hbm>> -> memref<1x4096xf32, #tpu.memory_space<hbm>>
        %dma_wait3A_37 = tpu.memref_squeeze %dma_wait3A_36 : memref<1x4096xf32, #tpu.memory_space<hbm>> -> memref<4096xf32, #tpu.memory_space<hbm>>
        %dma_wait3A_38 = arith.constant 0 : i32
        %dma_wait3A_39 = tpu.memref_slice %arg3[%add3A, %dma_wait3A_38] : memref<8x4096xf32, #tpu.memory_space<hbm>> -> memref<1x4096xf32, #tpu.memory_space<hbm>>
        %dma_wait3A_40 = tpu.memref_squeeze %dma_wait3A_39 : memref<1x4096xf32, #tpu.memory_space<hbm>> -> memref<4096xf32, #tpu.memory_space<hbm>>
        tpu.wait_dma2 semaphore(%run_scoped3A : memref<!tpu.dma_semaphore, #tpu.memory_space<semaphore_mem>>) src(%dma_wait3A_40 : memref<4096xf32, #tpu.memory_space<hbm>>) dst(%arg10 : memref<4096xf32, #tpu.memory_space<vmem>>)
        tpu.yield
      }) : () -> ()
      "tpu.region"() ({
        %run_scoped3A = tpu.sem_alloc : memref<!tpu.dma_semaphore, #tpu.memory_space<semaphore_mem>>
        %dma_start3A = arith.constant 0 : i32
        %dma_start3A_31 = tpu.memref_slice %arg4[%add3A, %dma_start3A] : memref<8x4096xi32, #tpu.memory_space<hbm>> -> memref<1x4096xi32, #tpu.memory_space<hbm>>
        %dma_start3A_32 = tpu.memref_squeeze %dma_start3A_31 : memref<1x4096xi32, #tpu.memory_space<hbm>> -> memref<4096xi32, #tpu.memory_space<hbm>>
        %dma_start3A_33 = arith.constant 0 : i32
        %dma_start3A_34 = tpu.memref_slice %arg4[%add3A, %dma_start3A_33] : memref<8x4096xi32, #tpu.memory_space<hbm>> -> memref<1x4096xi32, #tpu.memory_space<hbm>>
        %dma_start3A_35 = tpu.memref_squeeze %dma_start3A_34 : memref<1x4096xi32, #tpu.memory_space<hbm>> -> memref<4096xi32, #tpu.memory_space<hbm>>
        tpu.enqueue_dma source(%dma_start3A_35 : memref<4096xi32, #tpu.memory_space<hbm>>) target(%arg11 : memref<4096xi32, #tpu.memory_space<vmem>>) target_semaphore(%run_scoped3A : memref<!tpu.dma_semaphore, #tpu.memory_space<semaphore_mem>>)
        %dma_wait3A = arith.constant 0 : i32
        %dma_wait3A_36 = tpu.memref_slice %arg4[%add3A, %dma_wait3A] : memref<8x4096xi32, #tpu.memory_space<hbm>> -> memref<1x4096xi32, #tpu.memory_space<hbm>>
        %dma_wait3A_37 = tpu.memref_squeeze %dma_wait3A_36 : memref<1x4096xi32, #tpu.memory_space<hbm>> -> memref<4096xi32, #tpu.memory_space<hbm>>
        %dma_wait3A_38 = arith.constant 0 : i32
        %dma_wait3A_39 = tpu.memref_slice %arg4[%add3A, %dma_wait3A_38] : memref<8x4096xi32, #tpu.memory_space<hbm>> -> memref<1x4096xi32, #tpu.memory_space<hbm>>
        %dma_wait3A_40 = tpu.memref_squeeze %dma_wait3A_39 : memref<1x4096xi32, #tpu.memory_space<hbm>> -> memref<4096xi32, #tpu.memory_space<hbm>>
        tpu.wait_dma2 semaphore(%run_scoped3A : memref<!tpu.dma_semaphore, #tpu.memory_space<semaphore_mem>>) src(%dma_wait3A_40 : memref<4096xi32, #tpu.memory_space<hbm>>) dst(%arg11 : memref<4096xi32, #tpu.memory_space<vmem>>)
        tpu.yield
      }) : () -> ()
      "tpu.region"() ({
        %run_scoped3A = tpu.sem_alloc : memref<!tpu.dma_semaphore, #tpu.memory_space<semaphore_mem>>
        %dma_start3A = arith.constant 0 : i32
        %dma_start3A_31 = tpu.memref_slice %arg5[%add3A, %dma_start3A] : memref<8x4096xf32, #tpu.memory_space<hbm>> -> memref<1x4096xf32, #tpu.memory_space<hbm>>
        %dma_start3A_32 = tpu.memref_squeeze %dma_start3A_31 : memref<1x4096xf32, #tpu.memory_space<hbm>> -> memref<4096xf32, #tpu.memory_space<hbm>>
        %dma_start3A_33 = arith.constant 0 : i32
        %dma_start3A_34 = tpu.memref_slice %arg5[%add3A, %dma_start3A_33] : memref<8x4096xf32, #tpu.memory_space<hbm>> -> memref<1x4096xf32, #tpu.memory_space<hbm>>
        %dma_start3A_35 = tpu.memref_squeeze %dma_start3A_34 : memref<1x4096xf32, #tpu.memory_space<hbm>> -> memref<4096xf32, #tpu.memory_space<hbm>>
        tpu.enqueue_dma source(%dma_start3A_35 : memref<4096xf32, #tpu.memory_space<hbm>>) target(%arg12 : memref<4096xf32, #tpu.memory_space<vmem>>) target_semaphore(%run_scoped3A : memref<!tpu.dma_semaphore, #tpu.memory_space<semaphore_mem>>)
        %dma_wait3A = arith.constant 0 : i32
        %dma_wait3A_36 = tpu.memref_slice %arg5[%add3A, %dma_wait3A] : memref<8x4096xf32, #tpu.memory_space<hbm>> -> memref<1x4096xf32, #tpu.memory_space<hbm>>
        %dma_wait3A_37 = tpu.memref_squeeze %dma_wait3A_36 : memref<1x4096xf32, #tpu.memory_space<hbm>> -> memref<4096xf32, #tpu.memory_space<hbm>>
        %dma_wait3A_38 = arith.constant 0 : i32
        %dma_wait3A_39 = tpu.memref_slice %arg5[%add3A, %dma_wait3A_38] : memref<8x4096xf32, #tpu.memory_space<hbm>> -> memref<1x4096xf32, #tpu.memory_space<hbm>>
        %dma_wait3A_40 = tpu.memref_squeeze %dma_wait3A_39 : memref<1x4096xf32, #tpu.memory_space<hbm>> -> memref<4096xf32, #tpu.memory_space<hbm>>
        tpu.wait_dma2 semaphore(%run_scoped3A : memref<!tpu.dma_semaphore, #tpu.memory_space<semaphore_mem>>) src(%dma_wait3A_40 : memref<4096xf32, #tpu.memory_space<hbm>>) dst(%arg12 : memref<4096xf32, #tpu.memory_space<vmem>>)
        tpu.yield
      }) : () -> ()
      "tpu.region"() ({
        %run_scoped3A = tpu.sem_alloc : memref<!tpu.dma_semaphore, #tpu.memory_space<semaphore_mem>>
        tpu.enqueue_dma source(%arg6 : memref<16384xf32, #tpu.memory_space<hbm>>) target(%arg13 : memref<16384xf32, #tpu.memory_space<vmem>>) target_semaphore(%run_scoped3A : memref<!tpu.dma_semaphore, #tpu.memory_space<semaphore_mem>>)
        tpu.wait_dma2 semaphore(%run_scoped3A : memref<!tpu.dma_semaphore, #tpu.memory_space<semaphore_mem>>) src(%arg6 : memref<16384xf32, #tpu.memory_space<hbm>>) dst(%arg13 : memref<16384xf32, #tpu.memory_space<vmem>>)
        tpu.yield
      }) : () -> ()
      "tpu.region"() ({
        %run_scoped3A = tpu.sem_alloc : memref<!tpu.dma_semaphore, #tpu.memory_space<semaphore_mem>>
        tpu.enqueue_dma source(%arg7 : memref<16384xf32, #tpu.memory_space<hbm>>) target(%arg15 : memref<16384xf32, #tpu.memory_space<vmem>>) target_semaphore(%run_scoped3A : memref<!tpu.dma_semaphore, #tpu.memory_space<semaphore_mem>>)
        tpu.wait_dma2 semaphore(%run_scoped3A : memref<!tpu.dma_semaphore, #tpu.memory_space<semaphore_mem>>) src(%arg7 : memref<16384xf32, #tpu.memory_space<hbm>>) dst(%arg15 : memref<16384xf32, #tpu.memory_space<vmem>>)
        tpu.yield
      }) : () -> ()
      %iota3A = tpu.iota {dimensions = array<i32: 0>} : vector<16xi32>
      %mul3A_3 = arith.constant 1024 : i32
      %mul3A_4 = vector.broadcast %mul3A_3 : i32 to vector<16xi32>
      %mul3A_5 = arith.muli %iota3A, %mul3A_4 : vector<16xi32>
      %scan3A = arith.constant 0 : i32
      %scan3A_6 = arith.constant 0 : i32
      %scan3A_7 = arith.constant 256 : i32
      %scan3A_8 = arith.addi %scan3A_6, %scan3A_7 : i32
      %scan3A_9 = arith.constant 1 : i32
      scf.for %scan3A_31 = %scan3A_6 to %scan3A_8 step %scan3A_9  : i32 {
        %mul3A_32 = arith.constant 16 : i32
        %mul3A_33 = arith.muli %scan3A_31, %mul3A_32 : i32
        %get3A = arith.index_cast %mul3A_33 : i32 to index
        %get3A_34 = tpu.vector_load %arg9[%get3A] {strides = array<i32>} : memref<4096xf32, #tpu.memory_space<vmem>>, vector<16xf32>,
        %get3A_35 = arith.index_cast %mul3A_33 : i32 to index
        %get3A_36 = tpu.vector_load %arg11[%get3A_35] {strides = array<i32>} : memref<4096xi32, #tpu.memory_space<vmem>>, vector<16xi32>,
        %lt3A_37 = arith.constant 9.600000e+01 : f32
        %lt3A_38 = vector.broadcast %lt3A_37 : f32 to vector<16xf32>
        %lt3A_39 = arith.cmpf olt, %get3A_34, %lt3A_38 : vector<16xf32>
        %add3A_40 = arith.addi %get3A_36, %mul3A_5 : vector<16xi32>
        %gather3A = tpu.vector_load_idx %arg13[%add3A_40] : memref<16384xf32, #tpu.memory_space<vmem>>[vector<16xi32>], vector<16xf32>,
        %max3A = arith.maximumf %gather3A, %get3A_34 : vector<16xf32>
        tpu.vector_store_idx %arg13[%add3A_40], %max3A masked %lt3A_39 : memref<16384xf32, #tpu.memory_space<vmem>>[vector<16xi32>], vector<16xf32>, vector<16xi1>
      }
      %scan3A_10 = arith.constant 256 : i32
      %scan3A_11 = arith.constant 0 : i32
      %scan3A_12 = arith.constant 0 : i32
      %scan3A_13 = arith.constant 64 : i32
      %scan3A_14 = arith.addi %scan3A_12, %scan3A_13 : i32
      %scan3A_15 = arith.constant 1 : i32
      scf.for %scan3A_31 = %scan3A_12 to %scan3A_14 step %scan3A_15  : i32 {
        %mul3A_32 = arith.constant 16 : i32
        %mul3A_33 = arith.muli %scan3A_31, %mul3A_32 : i32
        %get3A = arith.index_cast %mul3A_33 : i32 to index
        %get3A_34 = tpu.vector_load %arg13[%get3A] {strides = array<i32>} : memref<16384xf32, #tpu.memory_space<vmem>>, vector<16xf32>,
        %add3A_35 = arith.constant 1024 : i32
        %add3A_36 = arith.addi %add3A_35, %mul3A_33 : i32
        %get3A_37 = arith.index_cast %add3A_36 : i32 to index
        %get3A_38 = tpu.vector_load %arg13[%get3A_37] {strides = array<i32>} : memref<16384xf32, #tpu.memory_space<vmem>>, vector<16xf32>,
        %max3A = arith.maximumf %get3A_34, %get3A_38 : vector<16xf32>
        %add3A_39 = arith.constant 2048 : i32
        %add3A_40 = arith.addi %add3A_39, %mul3A_33 : i32
        %get3A_41 = arith.index_cast %add3A_40 : i32 to index
        %get3A_42 = tpu.vector_load %arg13[%get3A_41] {strides = array<i32>} : memref<16384xf32, #tpu.memory_space<vmem>>, vector<16xf32>,
        %max3A_43 = arith.maximumf %max3A, %get3A_42 : vector<16xf32>
        %add3A_44 = arith.constant 3072 : i32
        %add3A_45 = arith.addi %add3A_44, %mul3A_33 : i32
        %get3A_46 = arith.index_cast %add3A_45 : i32 to index
        %get3A_47 = tpu.vector_load %arg13[%get3A_46] {strides = array<i32>} : memref<16384xf32, #tpu.memory_space<vmem>>, vector<16xf32>,
        %max3A_48 = arith.maximumf %max3A_43, %get3A_47 : vector<16xf32>
        %add3A_49 = arith.constant 4096 : i32
        %add3A_50 = arith.addi %add3A_49, %mul3A_33 : i32
        %get3A_51 = arith.index_cast %add3A_50 : i32 to index
        %get3A_52 = tpu.vector_load %arg13[%get3A_51] {strides = array<i32>} : memref<16384xf32, #tpu.memory_space<vmem>>, vector<16xf32>,
        %max3A_53 = arith.maximumf %max3A_48, %get3A_52 : vector<16xf32>
        %add3A_54 = arith.constant 5120 : i32
        %add3A_55 = arith.addi %add3A_54, %mul3A_33 : i32
        %get3A_56 = arith.index_cast %add3A_55 : i32 to index
        %get3A_57 = tpu.vector_load %arg13[%get3A_56] {strides = array<i32>} : memref<16384xf32, #tpu.memory_space<vmem>>, vector<16xf32>,
        %max3A_58 = arith.maximumf %max3A_53, %get3A_57 : vector<16xf32>
        %add3A_59 = arith.constant 6144 : i32
        %add3A_60 = arith.addi %add3A_59, %mul3A_33 : i32
        %get3A_61 = arith.index_cast %add3A_60 : i32 to index
        %get3A_62 = tpu.vector_load %arg13[%get3A_61] {strides = array<i32>} : memref<16384xf32, #tpu.memory_space<vmem>>, vector<16xf32>,
        %max3A_63 = arith.maximumf %max3A_58, %get3A_62 : vector<16xf32>
        %add3A_64 = arith.constant 7168 : i32
        %add3A_65 = arith.addi %add3A_64, %mul3A_33 : i32
        %get3A_66 = arith.index_cast %add3A_65 : i32 to index
        %get3A_67 = tpu.vector_load %arg13[%get3A_66] {strides = array<i32>} : memref<16384xf32, #tpu.memory_space<vmem>>, vector<16xf32>,
        %max3A_68 = arith.maximumf %max3A_63, %get3A_67 : vector<16xf32>
        %add3A_69 = arith.constant 8192 : i32
        %add3A_70 = arith.addi %add3A_69, %mul3A_33 : i32
        %get3A_71 = arith.index_cast %add3A_70 : i32 to index
        %get3A_72 = tpu.vector_load %arg13[%get3A_71] {strides = array<i32>} : memref<16384xf32, #tpu.memory_space<vmem>>, vector<16xf32>,
        %max3A_73 = arith.maximumf %max3A_68, %get3A_72 : vector<16xf32>
        %add3A_74 = arith.constant 9216 : i32
        %add3A_75 = arith.addi %add3A_74, %mul3A_33 : i32
        %get3A_76 = arith.index_cast %add3A_75 : i32 to index
        %get3A_77 = tpu.vector_load %arg13[%get3A_76] {strides = array<i32>} : memref<16384xf32, #tpu.memory_space<vmem>>, vector<16xf32>,
        %max3A_78 = arith.maximumf %max3A_73, %get3A_77 : vector<16xf32>
        %add3A_79 = arith.constant 10240 : i32
        %add3A_80 = arith.addi %add3A_79, %mul3A_33 : i32
        %get3A_81 = arith.index_cast %add3A_80 : i32 to index
        %get3A_82 = tpu.vector_load %arg13[%get3A_81] {strides = array<i32>} : memref<16384xf32, #tpu.memory_space<vmem>>, vector<16xf32>,
        %max3A_83 = arith.maximumf %max3A_78, %get3A_82 : vector<16xf32>
        %add3A_84 = arith.constant 11264 : i32
        %add3A_85 = arith.addi %add3A_84, %mul3A_33 : i32
        %get3A_86 = arith.index_cast %add3A_85 : i32 to index
        %get3A_87 = tpu.vector_load %arg13[%get3A_86] {strides = array<i32>} : memref<16384xf32, #tpu.memory_space<vmem>>, vector<16xf32>,
        %max3A_88 = arith.maximumf %max3A_83, %get3A_87 : vector<16xf32>
        %add3A_89 = arith.constant 12288 : i32
        %add3A_90 = arith.addi %add3A_89, %mul3A_33 : i32
        %get3A_91 = arith.index_cast %add3A_90 : i32 to index
        %get3A_92 = tpu.vector_load %arg13[%get3A_91] {strides = array<i32>} : memref<16384xf32, #tpu.memory_space<vmem>>, vector<16xf32>,
        %max3A_93 = arith.maximumf %max3A_88, %get3A_92 : vector<16xf32>
        %add3A_94 = arith.constant 13312 : i32
        %add3A_95 = arith.addi %add3A_94, %mul3A_33 : i32
        %get3A_96 = arith.index_cast %add3A_95 : i32 to index
        %get3A_97 = tpu.vector_load %arg13[%get3A_96] {strides = array<i32>} : memref<16384xf32, #tpu.memory_space<vmem>>, vector<16xf32>,
        %max3A_98 = arith.maximumf %max3A_93, %get3A_97 : vector<16xf32>
        %add3A_99 = arith.constant 14336 : i32
        %add3A_100 = arith.addi %add3A_99, %mul3A_33 : i32
        %get3A_101 = arith.index_cast %add3A_100 : i32 to index
        %get3A_102 = tpu.vector_load %arg13[%get3A_101] {strides = array<i32>} : memref<16384xf32, #tpu.memory_space<vmem>>, vector<16xf32>,
        %max3A_103 = arith.maximumf %max3A_98, %get3A_102 : vector<16xf32>
        %add3A_104 = arith.constant 15360 : i32
        %add3A_105 = arith.addi %add3A_104, %mul3A_33 : i32
        %get3A_106 = arith.index_cast %add3A_105 : i32 to index
        %get3A_107 = tpu.vector_load %arg13[%get3A_106] {strides = array<i32>} : memref<16384xf32, #tpu.memory_space<vmem>>, vector<16xf32>,
        %max3A_108 = arith.maximumf %max3A_103, %get3A_107 : vector<16xf32>
        %max3A_109 = arith.constant 8.000000e+00 : f32
        %max3A_110 = vector.broadcast %max3A_109 : f32 to vector<16xf32>
        %max3A_111 = arith.maximumf %max3A_108, %max3A_110 : vector<16xf32>
        %min3A = arith.constant 9.600000e+01 : f32
        %min3A_112 = vector.broadcast %min3A : f32 to vector<16xf32>
        %min3A_113 = arith.minimumf %max3A_111, %min3A_112 : vector<16xf32>
        %swap3A_114 = arith.index_cast %mul3A_33 : i32 to index
        %swap3A_115 = tpu.vector_load %arg14[%swap3A_114] {strides = array<i32>} : memref<1024xf32, #tpu.memory_space<vmem>>, vector<16xf32>,
        tpu.vector_store %arg14[%swap3A_114], %min3A_113 {strides = array<i32>} : memref<1024xf32, #tpu.memory_space<vmem>>, vector<16xf32>,
      }
      %scan3A_16 = arith.constant 64 : i32
      %scan3A_17 = arith.constant 0 : i32
      %scan3A_18 = arith.constant 0 : i32
      %scan3A_19 = arith.constant 256 : i32
      %scan3A_20 = arith.addi %scan3A_18, %scan3A_19 : i32
      %scan3A_21 = arith.constant 1 : i32
      scf.for %scan3A_31 = %scan3A_18 to %scan3A_20 step %scan3A_21  : i32 {
        %mul3A_32 = arith.constant 16 : i32
        %mul3A_33 = arith.muli %scan3A_31, %mul3A_32 : i32
        %get3A = arith.index_cast %mul3A_33 : i32 to index
        %get3A_34 = tpu.vector_load %arg9[%get3A] {strides = array<i32>} : memref<4096xf32, #tpu.memory_space<vmem>>, vector<16xf32>,
        %get3A_35 = arith.index_cast %mul3A_33 : i32 to index
        %get3A_36 = tpu.vector_load %arg11[%get3A_35] {strides = array<i32>} : memref<4096xi32, #tpu.memory_space<vmem>>, vector<16xi32>,
        %get3A_37 = arith.index_cast %mul3A_33 : i32 to index
        %get3A_38 = tpu.vector_load %arg10[%get3A_37] {strides = array<i32>} : memref<4096xf32, #tpu.memory_space<vmem>>, vector<16xf32>,
        %get3A_39 = arith.index_cast %mul3A_33 : i32 to index
        %get3A_40 = tpu.vector_load %arg12[%get3A_39] {strides = array<i32>} : memref<4096xf32, #tpu.memory_space<vmem>>, vector<16xf32>,
        %lt3A_41 = arith.constant 9.600000e+01 : f32
        %lt3A_42 = vector.broadcast %lt3A_41 : f32 to vector<16xf32>
        %lt3A_43 = arith.cmpf olt, %get3A_34, %lt3A_42 : vector<16xf32>
        %gather3A = tpu.vector_load_idx %arg14[%get3A_36] : memref<1024xf32, #tpu.memory_space<vmem>>[vector<16xi32>], vector<16xf32>,
        %div3A = arith.divf %get3A_34, %gather3A : vector<16xf32>
        %mul3A_44 = arith.constant 8.000000e+00 : f32
        %mul3A_45 = vector.broadcast %mul3A_44 : f32 to vector<16xf32>
        %mul3A_46 = arith.mulf %div3A, %mul3A_45 : vector<16xf32>
        %sub3A = arith.subf %mul3A_46, %get3A_38 : vector<16xf32>
        %add3A_47 = vector.broadcast %mul3A_33 : i32 to vector<16xi32>
        %add3A_48 = arith.addi %add3A_47, %iota3A : vector<16xi32>
        %add3A_49 = arith.addi %get3A_36, %mul3A_5 : vector<16xi32>
        %gather3A_50 = tpu.vector_load_idx %arg15[%add3A_49] : memref<16384xf32, #tpu.memory_space<vmem>>[vector<16xi32>], vector<16xf32>,
        %gather3A_51 = tpu.vector_load_idx %arg16[%add3A_49] : memref<16384xi32, #tpu.memory_space<vmem>>[vector<16xi32>], vector<16xi32>,
        %lt3A_52 = arith.cmpf olt, %sub3A, %gather3A_50 : vector<16xf32>
        %eq3A = arith.cmpf oeq, %sub3A, %gather3A_50 : vector<16xf32>
        %lt3A_53 = arith.cmpi slt, %add3A_48, %gather3A_51 : vector<16xi32>
        %and3A = arith.andi %eq3A, %lt3A_53 : vector<16xi1>
        %or3A = arith.ori %lt3A_52, %and3A : vector<16xi1>
        %and3A_54 = arith.andi %lt3A_43, %or3A : vector<16xi1>
        tpu.vector_store_idx %arg15[%add3A_49], %sub3A masked %and3A_54 : memref<16384xf32, #tpu.memory_space<vmem>>[vector<16xi32>], vector<16xf32>, vector<16xi1>
        tpu.vector_store_idx %arg16[%add3A_49], %add3A_48 masked %and3A_54 : memref<16384xi32, #tpu.memory_space<vmem>>[vector<16xi32>], vector<16xi32>, vector<16xi1>
        tpu.vector_store_idx %arg17[%add3A_49], %get3A_40 masked %and3A_54 : memref<16384xf32, #tpu.memory_space<vmem>>[vector<16xi32>], vector<16xf32>, vector<16xi1>
      }
      %scan3A_22 = arith.constant 256 : i32
      %broadcast_in_dim3A = arith.constant 0.000000e+00 : f32
      %broadcast_in_dim3A_23 = vector.broadcast %broadcast_in_dim3A : f32 to vector<16xf32>
      %scan3A_24 = arith.constant 0 : i32
      %scan3A_25 = arith.constant 64 : i32
      %scan3A_26 = arith.addi %scan3A_24, %scan3A_25 : i32
      %scan3A_27 = arith.constant 1 : i32
      %scan3A_28 = scf.for %scan3A_31 = %scan3A_24 to %scan3A_26 step %scan3A_27 iter_args(%scan3A_32 = %broadcast_in_dim3A_23) -> (vector<16xf32>)  : i32 {
        %mul3A_33 = arith.constant 16 : i32
        %mul3A_34 = arith.muli %scan3A_31, %mul3A_33 : i32
        %get3A = arith.index_cast %mul3A_34 : i32 to index
        %get3A_35 = tpu.vector_load %arg15[%get3A] {strides = array<i32>} : memref<16384xf32, #tpu.memory_space<vmem>>, vector<16xf32>,
        %get3A_36 = arith.index_cast %mul3A_34 : i32 to index
        %get3A_37 = tpu.vector_load %arg16[%get3A_36] {strides = array<i32>} : memref<16384xi32, #tpu.memory_space<vmem>>, vector<16xi32>,
        %get3A_38 = arith.index_cast %mul3A_34 : i32 to index
        %get3A_39 = tpu.vector_load %arg17[%get3A_38] {strides = array<i32>} : memref<16384xf32, #tpu.memory_space<vmem>>, vector<16xf32>,
        %add3A_40 = arith.constant 1024 : i32
        %add3A_41 = arith.addi %add3A_40, %mul3A_34 : i32
        %get3A_42 = arith.index_cast %add3A_41 : i32 to index
        %get3A_43 = tpu.vector_load %arg15[%get3A_42] {strides = array<i32>} : memref<16384xf32, #tpu.memory_space<vmem>>, vector<16xf32>,
        %add3A_44 = arith.constant 1024 : i32
        %add3A_45 = arith.addi %add3A_44, %mul3A_34 : i32
        %get3A_46 = arith.index_cast %add3A_45 : i32 to index
        %get3A_47 = tpu.vector_load %arg16[%get3A_46] {strides = array<i32>} : memref<16384xi32, #tpu.memory_space<vmem>>, vector<16xi32>,
        %add3A_48 = arith.constant 1024 : i32
        %add3A_49 = arith.addi %add3A_48, %mul3A_34 : i32
        %get3A_50 = arith.index_cast %add3A_49 : i32 to index
        %get3A_51 = tpu.vector_load %arg17[%get3A_50] {strides = array<i32>} : memref<16384xf32, #tpu.memory_space<vmem>>, vector<16xf32>,
        %lt3A_52 = arith.cmpf olt, %get3A_43, %get3A_35 : vector<16xf32>
        %eq3A = arith.cmpf oeq, %get3A_43, %get3A_35 : vector<16xf32>
        %lt3A_53 = arith.cmpi slt, %get3A_47, %get3A_37 : vector<16xi32>
        %and3A = arith.andi %eq3A, %lt3A_53 : vector<16xi1>
        %or3A = arith.ori %lt3A_52, %and3A : vector<16xi1>
        %select_n3A = arith.select %or3A, %get3A_43, %get3A_35 : vector<16xi1>, vector<16xf32>
        %select_n3A_54 = arith.select %or3A, %get3A_47, %get3A_37 : vector<16xi1>, vector<16xi32>
        %select_n3A_55 = arith.select %or3A, %get3A_51, %get3A_39 : vector<16xi1>, vector<16xf32>
        %add3A_56 = arith.constant 2048 : i32
        %add3A_57 = arith.addi %add3A_56, %mul3A_34 : i32
        %get3A_58 = arith.index_cast %add3A_57 : i32 to index
        %get3A_59 = tpu.vector_load %arg15[%get3A_58] {strides = array<i32>} : memref<16384xf32, #tpu.memory_space<vmem>>, vector<16xf32>,
        %add3A_60 = arith.constant 2048 : i32
        %add3A_61 = arith.addi %add3A_60, %mul3A_34 : i32
        %get3A_62 = arith.index_cast %add3A_61 : i32 to index
        %get3A_63 = tpu.vector_load %arg16[%get3A_62] {strides = array<i32>} : memref<16384xi32, #tpu.memory_space<vmem>>, vector<16xi32>,
        %add3A_64 = arith.constant 2048 : i32
        %add3A_65 = arith.addi %add3A_64, %mul3A_34 : i32
        %get3A_66 = arith.index_cast %add3A_65 : i32 to index
        %get3A_67 = tpu.vector_load %arg17[%get3A_66] {strides = array<i32>} : memref<16384xf32, #tpu.memory_space<vmem>>, vector<16xf32>,
        %lt3A_68 = arith.cmpf olt, %get3A_59, %select_n3A : vector<16xf32>
        %eq3A_69 = arith.cmpf oeq, %get3A_59, %select_n3A : vector<16xf32>
        %lt3A_70 = arith.cmpi slt, %get3A_63, %select_n3A_54 : vector<16xi32>
        %and3A_71 = arith.andi %eq3A_69, %lt3A_70 : vector<16xi1>
        %or3A_72 = arith.ori %lt3A_68, %and3A_71 : vector<16xi1>
        %select_n3A_73 = arith.select %or3A_72, %get3A_59, %select_n3A : vector<16xi1>, vector<16xf32>
        %select_n3A_74 = arith.select %or3A_72, %get3A_63, %select_n3A_54 : vector<16xi1>, vector<16xi32>
        %select_n3A_75 = arith.select %or3A_72, %get3A_67, %select_n3A_55 : vector<16xi1>, vector<16xf32>
        %add3A_76 = arith.constant 3072 : i32
        %add3A_77 = arith.addi %add3A_76, %mul3A_34 : i32
        %get3A_78 = arith.index_cast %add3A_77 : i32 to index
        %get3A_79 = tpu.vector_load %arg15[%get3A_78] {strides = array<i32>} : memref<16384xf32, #tpu.memory_space<vmem>>, vector<16xf32>,
        %add3A_80 = arith.constant 3072 : i32
        %add3A_81 = arith.addi %add3A_80, %mul3A_34 : i32
        %get3A_82 = arith.index_cast %add3A_81 : i32 to index
        %get3A_83 = tpu.vector_load %arg16[%get3A_82] {strides = array<i32>} : memref<16384xi32, #tpu.memory_space<vmem>>, vector<16xi32>,
        %add3A_84 = arith.constant 3072 : i32
        %add3A_85 = arith.addi %add3A_84, %mul3A_34 : i32
        %get3A_86 = arith.index_cast %add3A_85 : i32 to index
        %get3A_87 = tpu.vector_load %arg17[%get3A_86] {strides = array<i32>} : memref<16384xf32, #tpu.memory_space<vmem>>, vector<16xf32>,
        %lt3A_88 = arith.cmpf olt, %get3A_79, %select_n3A_73 : vector<16xf32>
        %eq3A_89 = arith.cmpf oeq, %get3A_79, %select_n3A_73 : vector<16xf32>
        %lt3A_90 = arith.cmpi slt, %get3A_83, %select_n3A_74 : vector<16xi32>
        %and3A_91 = arith.andi %eq3A_89, %lt3A_90 : vector<16xi1>
        %or3A_92 = arith.ori %lt3A_88, %and3A_91 : vector<16xi1>
        %select_n3A_93 = arith.select %or3A_92, %get3A_79, %select_n3A_73 : vector<16xi1>, vector<16xf32>
        %select_n3A_94 = arith.select %or3A_92, %get3A_83, %select_n3A_74 : vector<16xi1>, vector<16xi32>
        %select_n3A_95 = arith.select %or3A_92, %get3A_87, %select_n3A_75 : vector<16xi1>, vector<16xf32>
        %add3A_96 = arith.constant 4096 : i32
        %add3A_97 = arith.addi %add3A_96, %mul3A_34 : i32
        %get3A_98 = arith.index_cast %add3A_97 : i32 to index
        %get3A_99 = tpu.vector_load %arg15[%get3A_98] {strides = array<i32>} : memref<16384xf32, #tpu.memory_space<vmem>>, vector<16xf32>,
        %add3A_100 = arith.constant 4096 : i32
        %add3A_101 = arith.addi %add3A_100, %mul3A_34 : i32
        %get3A_102 = arith.index_cast %add3A_101 : i32 to index
        %get3A_103 = tpu.vector_load %arg16[%get3A_102] {strides = array<i32>} : memref<16384xi32, #tpu.memory_space<vmem>>, vector<16xi32>,
        %add3A_104 = arith.constant 4096 : i32
        %add3A_105 = arith.addi %add3A_104, %mul3A_34 : i32
        %get3A_106 = arith.index_cast %add3A_105 : i32 to index
        %get3A_107 = tpu.vector_load %arg17[%get3A_106] {strides = array<i32>} : memref<16384xf32, #tpu.memory_space<vmem>>, vector<16xf32>,
        %lt3A_108 = arith.cmpf olt, %get3A_99, %select_n3A_93 : vector<16xf32>
        %eq3A_109 = arith.cmpf oeq, %get3A_99, %select_n3A_93 : vector<16xf32>
        %lt3A_110 = arith.cmpi slt, %get3A_103, %select_n3A_94 : vector<16xi32>
        %and3A_111 = arith.andi %eq3A_109, %lt3A_110 : vector<16xi1>
        %or3A_112 = arith.ori %lt3A_108, %and3A_111 : vector<16xi1>
        %select_n3A_113 = arith.select %or3A_112, %get3A_99, %select_n3A_93 : vector<16xi1>, vector<16xf32>
        %select_n3A_114 = arith.select %or3A_112, %get3A_103, %select_n3A_94 : vector<16xi1>, vector<16xi32>
        %select_n3A_115 = arith.select %or3A_112, %get3A_107, %select_n3A_95 : vector<16xi1>, vector<16xf32>
        %add3A_116 = arith.constant 5120 : i32
        %add3A_117 = arith.addi %add3A_116, %mul3A_34 : i32
        %get3A_118 = arith.index_cast %add3A_117 : i32 to index
        %get3A_119 = tpu.vector_load %arg15[%get3A_118] {strides = array<i32>} : memref<16384xf32, #tpu.memory_space<vmem>>, vector<16xf32>,
        %add3A_120 = arith.constant 5120 : i32
        %add3A_121 = arith.addi %add3A_120, %mul3A_34 : i32
        %get3A_122 = arith.index_cast %add3A_121 : i32 to index
        %get3A_123 = tpu.vector_load %arg16[%get3A_122] {strides = array<i32>} : memref<16384xi32, #tpu.memory_space<vmem>>, vector<16xi32>,
        %add3A_124 = arith.constant 5120 : i32
        %add3A_125 = arith.addi %add3A_124, %mul3A_34 : i32
        %get3A_126 = arith.index_cast %add3A_125 : i32 to index
        %get3A_127 = tpu.vector_load %arg17[%get3A_126] {strides = array<i32>} : memref<16384xf32, #tpu.memory_space<vmem>>, vector<16xf32>,
        %lt3A_128 = arith.cmpf olt, %get3A_119, %select_n3A_113 : vector<16xf32>
        %eq3A_129 = arith.cmpf oeq, %get3A_119, %select_n3A_113 : vector<16xf32>
        %lt3A_130 = arith.cmpi slt, %get3A_123, %select_n3A_114 : vector<16xi32>
        %and3A_131 = arith.andi %eq3A_129, %lt3A_130 : vector<16xi1>
        %or3A_132 = arith.ori %lt3A_128, %and3A_131 : vector<16xi1>
        %select_n3A_133 = arith.select %or3A_132, %get3A_119, %select_n3A_113 : vector<16xi1>, vector<16xf32>
        %select_n3A_134 = arith.select %or3A_132, %get3A_123, %select_n3A_114 : vector<16xi1>, vector<16xi32>
        %select_n3A_135 = arith.select %or3A_132, %get3A_127, %select_n3A_115 : vector<16xi1>, vector<16xf32>
        %add3A_136 = arith.constant 6144 : i32
        %add3A_137 = arith.addi %add3A_136, %mul3A_34 : i32
        %get3A_138 = arith.index_cast %add3A_137 : i32 to index
        %get3A_139 = tpu.vector_load %arg15[%get3A_138] {strides = array<i32>} : memref<16384xf32, #tpu.memory_space<vmem>>, vector<16xf32>,
        %add3A_140 = arith.constant 6144 : i32
        %add3A_141 = arith.addi %add3A_140, %mul3A_34 : i32
        %get3A_142 = arith.index_cast %add3A_141 : i32 to index
        %get3A_143 = tpu.vector_load %arg16[%get3A_142] {strides = array<i32>} : memref<16384xi32, #tpu.memory_space<vmem>>, vector<16xi32>,
        %add3A_144 = arith.constant 6144 : i32
        %add3A_145 = arith.addi %add3A_144, %mul3A_34 : i32
        %get3A_146 = arith.index_cast %add3A_145 : i32 to index
        %get3A_147 = tpu.vector_load %arg17[%get3A_146] {strides = array<i32>} : memref<16384xf32, #tpu.memory_space<vmem>>, vector<16xf32>,
        %lt3A_148 = arith.cmpf olt, %get3A_139, %select_n3A_133 : vector<16xf32>
        %eq3A_149 = arith.cmpf oeq, %get3A_139, %select_n3A_133 : vector<16xf32>
        %lt3A_150 = arith.cmpi slt, %get3A_143, %select_n3A_134 : vector<16xi32>
        %and3A_151 = arith.andi %eq3A_149, %lt3A_150 : vector<16xi1>
        %or3A_152 = arith.ori %lt3A_148, %and3A_151 : vector<16xi1>
        %select_n3A_153 = arith.select %or3A_152, %get3A_139, %select_n3A_133 : vector<16xi1>, vector<16xf32>
        %select_n3A_154 = arith.select %or3A_152, %get3A_143, %select_n3A_134 : vector<16xi1>, vector<16xi32>
        %select_n3A_155 = arith.select %or3A_152, %get3A_147, %select_n3A_135 : vector<16xi1>, vector<16xf32>
        %add3A_156 = arith.constant 7168 : i32
        %add3A_157 = arith.addi %add3A_156, %mul3A_34 : i32
        %get3A_158 = arith.index_cast %add3A_157 : i32 to index
        %get3A_159 = tpu.vector_load %arg15[%get3A_158] {strides = array<i32>} : memref<16384xf32, #tpu.memory_space<vmem>>, vector<16xf32>,
        %add3A_160 = arith.constant 7168 : i32
        %add3A_161 = arith.addi %add3A_160, %mul3A_34 : i32
        %get3A_162 = arith.index_cast %add3A_161 : i32 to index
        %get3A_163 = tpu.vector_load %arg16[%get3A_162] {strides = array<i32>} : memref<16384xi32, #tpu.memory_space<vmem>>, vector<16xi32>,
        %add3A_164 = arith.constant 7168 : i32
        %add3A_165 = arith.addi %add3A_164, %mul3A_34 : i32
        %get3A_166 = arith.index_cast %add3A_165 : i32 to index
        %get3A_167 = tpu.vector_load %arg17[%get3A_166] {strides = array<i32>} : memref<16384xf32, #tpu.memory_space<vmem>>, vector<16xf32>,
        %lt3A_168 = arith.cmpf olt, %get3A_159, %select_n3A_153 : vector<16xf32>
        %eq3A_169 = arith.cmpf oeq, %get3A_159, %select_n3A_153 : vector<16xf32>
        %lt3A_170 = arith.cmpi slt, %get3A_163, %select_n3A_154 : vector<16xi32>
        %and3A_171 = arith.andi %eq3A_169, %lt3A_170 : vector<16xi1>
        %or3A_172 = arith.ori %lt3A_168, %and3A_171 : vector<16xi1>
        %select_n3A_173 = arith.select %or3A_172, %get3A_159, %select_n3A_153 : vector<16xi1>, vector<16xf32>
        %select_n3A_174 = arith.select %or3A_172, %get3A_163, %select_n3A_154 : vector<16xi1>, vector<16xi32>
        %select_n3A_175 = arith.select %or3A_172, %get3A_167, %select_n3A_155 : vector<16xi1>, vector<16xf32>
        %add3A_176 = arith.constant 8192 : i32
        %add3A_177 = arith.addi %add3A_176, %mul3A_34 : i32
        %get3A_178 = arith.index_cast %add3A_177 : i32 to index
        %get3A_179 = tpu.vector_load %arg15[%get3A_178] {strides = array<i32>} : memref<16384xf32, #tpu.memory_space<vmem>>, vector<16xf32>,
        %add3A_180 = arith.constant 8192 : i32
        %add3A_181 = arith.addi %add3A_180, %mul3A_34 : i32
        %get3A_182 = arith.index_cast %add3A_181 : i32 to index
        %get3A_183 = tpu.vector_load %arg16[%get3A_182] {strides = array<i32>} : memref<16384xi32, #tpu.memory_space<vmem>>, vector<16xi32>,
        %add3A_184 = arith.constant 8192 : i32
        %add3A_185 = arith.addi %add3A_184, %mul3A_34 : i32
        %get3A_186 = arith.index_cast %add3A_185 : i32 to index
        %get3A_187 = tpu.vector_load %arg17[%get3A_186] {strides = array<i32>} : memref<16384xf32, #tpu.memory_space<vmem>>, vector<16xf32>,
        %lt3A_188 = arith.cmpf olt, %get3A_179, %select_n3A_173 : vector<16xf32>
        %eq3A_189 = arith.cmpf oeq, %get3A_179, %select_n3A_173 : vector<16xf32>
        %lt3A_190 = arith.cmpi slt, %get3A_183, %select_n3A_174 : vector<16xi32>
        %and3A_191 = arith.andi %eq3A_189, %lt3A_190 : vector<16xi1>
        %or3A_192 = arith.ori %lt3A_188, %and3A_191 : vector<16xi1>
        %select_n3A_193 = arith.select %or3A_192, %get3A_179, %select_n3A_173 : vector<16xi1>, vector<16xf32>
        %select_n3A_194 = arith.select %or3A_192, %get3A_183, %select_n3A_174 : vector<16xi1>, vector<16xi32>
        %select_n3A_195 = arith.select %or3A_192, %get3A_187, %select_n3A_175 : vector<16xi1>, vector<16xf32>
        %add3A_196 = arith.constant 9216 : i32
        %add3A_197 = arith.addi %add3A_196, %mul3A_34 : i32
        %get3A_198 = arith.index_cast %add3A_197 : i32 to index
        %get3A_199 = tpu.vector_load %arg15[%get3A_198] {strides = array<i32>} : memref<16384xf32, #tpu.memory_space<vmem>>, vector<16xf32>,
        %add3A_200 = arith.constant 9216 : i32
        %add3A_201 = arith.addi %add3A_200, %mul3A_34 : i32
        %get3A_202 = arith.index_cast %add3A_201 : i32 to index
        %get3A_203 = tpu.vector_load %arg16[%get3A_202] {strides = array<i32>} : memref<16384xi32, #tpu.memory_space<vmem>>, vector<16xi32>,
        %add3A_204 = arith.constant 9216 : i32
        %add3A_205 = arith.addi %add3A_204, %mul3A_34 : i32
        %get3A_206 = arith.index_cast %add3A_205 : i32 to index
        %get3A_207 = tpu.vector_load %arg17[%get3A_206] {strides = array<i32>} : memref<16384xf32, #tpu.memory_space<vmem>>, vector<16xf32>,
        %lt3A_208 = arith.cmpf olt, %get3A_199, %select_n3A_193 : vector<16xf32>
        %eq3A_209 = arith.cmpf oeq, %get3A_199, %select_n3A_193 : vector<16xf32>
        %lt3A_210 = arith.cmpi slt, %get3A_203, %select_n3A_194 : vector<16xi32>
        %and3A_211 = arith.andi %eq3A_209, %lt3A_210 : vector<16xi1>
        %or3A_212 = arith.ori %lt3A_208, %and3A_211 : vector<16xi1>
        %select_n3A_213 = arith.select %or3A_212, %get3A_199, %select_n3A_193 : vector<16xi1>, vector<16xf32>
        %select_n3A_214 = arith.select %or3A_212, %get3A_203, %select_n3A_194 : vector<16xi1>, vector<16xi32>
        %select_n3A_215 = arith.select %or3A_212, %get3A_207, %select_n3A_195 : vector<16xi1>, vector<16xf32>
        %add3A_216 = arith.constant 10240 : i32
        %add3A_217 = arith.addi %add3A_216, %mul3A_34 : i32
        %get3A_218 = arith.index_cast %add3A_217 : i32 to index
        %get3A_219 = tpu.vector_load %arg15[%get3A_218] {strides = array<i32>} : memref<16384xf32, #tpu.memory_space<vmem>>, vector<16xf32>,
        %add3A_220 = arith.constant 10240 : i32
        %add3A_221 = arith.addi %add3A_220, %mul3A_34 : i32
        %get3A_222 = arith.index_cast %add3A_221 : i32 to index
        %get3A_223 = tpu.vector_load %arg16[%get3A_222] {strides = array<i32>} : memref<16384xi32, #tpu.memory_space<vmem>>, vector<16xi32>,
        %add3A_224 = arith.constant 10240 : i32
        %add3A_225 = arith.addi %add3A_224, %mul3A_34 : i32
        %get3A_226 = arith.index_cast %add3A_225 : i32 to index
        %get3A_227 = tpu.vector_load %arg17[%get3A_226] {strides = array<i32>} : memref<16384xf32, #tpu.memory_space<vmem>>, vector<16xf32>,
        %lt3A_228 = arith.cmpf olt, %get3A_219, %select_n3A_213 : vector<16xf32>
        %eq3A_229 = arith.cmpf oeq, %get3A_219, %select_n3A_213 : vector<16xf32>
        %lt3A_230 = arith.cmpi slt, %get3A_223, %select_n3A_214 : vector<16xi32>
        %and3A_231 = arith.andi %eq3A_229, %lt3A_230 : vector<16xi1>
        %or3A_232 = arith.ori %lt3A_228, %and3A_231 : vector<16xi1>
        %select_n3A_233 = arith.select %or3A_232, %get3A_219, %select_n3A_213 : vector<16xi1>, vector<16xf32>
        %select_n3A_234 = arith.select %or3A_232, %get3A_223, %select_n3A_214 : vector<16xi1>, vector<16xi32>
        %select_n3A_235 = arith.select %or3A_232, %get3A_227, %select_n3A_215 : vector<16xi1>, vector<16xf32>
        %add3A_236 = arith.constant 11264 : i32
        %add3A_237 = arith.addi %add3A_236, %mul3A_34 : i32
        %get3A_238 = arith.index_cast %add3A_237 : i32 to index
        %get3A_239 = tpu.vector_load %arg15[%get3A_238] {strides = array<i32>} : memref<16384xf32, #tpu.memory_space<vmem>>, vector<16xf32>,
        %add3A_240 = arith.constant 11264 : i32
        %add3A_241 = arith.addi %add3A_240, %mul3A_34 : i32
        %get3A_242 = arith.index_cast %add3A_241 : i32 to index
        %get3A_243 = tpu.vector_load %arg16[%get3A_242] {strides = array<i32>} : memref<16384xi32, #tpu.memory_space<vmem>>, vector<16xi32>,
        %add3A_244 = arith.constant 11264 : i32
        %add3A_245 = arith.addi %add3A_244, %mul3A_34 : i32
        %get3A_246 = arith.index_cast %add3A_245 : i32 to index
        %get3A_247 = tpu.vector_load %arg17[%get3A_246] {strides = array<i32>} : memref<16384xf32, #tpu.memory_space<vmem>>, vector<16xf32>,
        %lt3A_248 = arith.cmpf olt, %get3A_239, %select_n3A_233 : vector<16xf32>
        %eq3A_249 = arith.cmpf oeq, %get3A_239, %select_n3A_233 : vector<16xf32>
        %lt3A_250 = arith.cmpi slt, %get3A_243, %select_n3A_234 : vector<16xi32>
        %and3A_251 = arith.andi %eq3A_249, %lt3A_250 : vector<16xi1>
        %or3A_252 = arith.ori %lt3A_248, %and3A_251 : vector<16xi1>
        %select_n3A_253 = arith.select %or3A_252, %get3A_239, %select_n3A_233 : vector<16xi1>, vector<16xf32>
        %select_n3A_254 = arith.select %or3A_252, %get3A_243, %select_n3A_234 : vector<16xi1>, vector<16xi32>
        %select_n3A_255 = arith.select %or3A_252, %get3A_247, %select_n3A_235 : vector<16xi1>, vector<16xf32>
        %add3A_256 = arith.constant 12288 : i32
        %add3A_257 = arith.addi %add3A_256, %mul3A_34 : i32
        %get3A_258 = arith.index_cast %add3A_257 : i32 to index
        %get3A_259 = tpu.vector_load %arg15[%get3A_258] {strides = array<i32>} : memref<16384xf32, #tpu.memory_space<vmem>>, vector<16xf32>,
        %add3A_260 = arith.constant 12288 : i32
        %add3A_261 = arith.addi %add3A_260, %mul3A_34 : i32
        %get3A_262 = arith.index_cast %add3A_261 : i32 to index
        %get3A_263 = tpu.vector_load %arg16[%get3A_262] {strides = array<i32>} : memref<16384xi32, #tpu.memory_space<vmem>>, vector<16xi32>,
        %add3A_264 = arith.constant 12288 : i32
        %add3A_265 = arith.addi %add3A_264, %mul3A_34 : i32
        %get3A_266 = arith.index_cast %add3A_265 : i32 to index
        %get3A_267 = tpu.vector_load %arg17[%get3A_266] {strides = array<i32>} : memref<16384xf32, #tpu.memory_space<vmem>>, vector<16xf32>,
        %lt3A_268 = arith.cmpf olt, %get3A_259, %select_n3A_253 : vector<16xf32>
        %eq3A_269 = arith.cmpf oeq, %get3A_259, %select_n3A_253 : vector<16xf32>
        %lt3A_270 = arith.cmpi slt, %get3A_263, %select_n3A_254 : vector<16xi32>
        %and3A_271 = arith.andi %eq3A_269, %lt3A_270 : vector<16xi1>
        %or3A_272 = arith.ori %lt3A_268, %and3A_271 : vector<16xi1>
        %select_n3A_273 = arith.select %or3A_272, %get3A_259, %select_n3A_253 : vector<16xi1>, vector<16xf32>
        %select_n3A_274 = arith.select %or3A_272, %get3A_263, %select_n3A_254 : vector<16xi1>, vector<16xi32>
        %select_n3A_275 = arith.select %or3A_272, %get3A_267, %select_n3A_255 : vector<16xi1>, vector<16xf32>
        %add3A_276 = arith.constant 13312 : i32
        %add3A_277 = arith.addi %add3A_276, %mul3A_34 : i32
        %get3A_278 = arith.index_cast %add3A_277 : i32 to index
        %get3A_279 = tpu.vector_load %arg15[%get3A_278] {strides = array<i32>} : memref<16384xf32, #tpu.memory_space<vmem>>, vector<16xf32>,
        %add3A_280 = arith.constant 13312 : i32
        %add3A_281 = arith.addi %add3A_280, %mul3A_34 : i32
        %get3A_282 = arith.index_cast %add3A_281 : i32 to index
        %get3A_283 = tpu.vector_load %arg16[%get3A_282] {strides = array<i32>} : memref<16384xi32, #tpu.memory_space<vmem>>, vector<16xi32>,
        %add3A_284 = arith.constant 13312 : i32
        %add3A_285 = arith.addi %add3A_284, %mul3A_34 : i32
        %get3A_286 = arith.index_cast %add3A_285 : i32 to index
        %get3A_287 = tpu.vector_load %arg17[%get3A_286] {strides = array<i32>} : memref<16384xf32, #tpu.memory_space<vmem>>, vector<16xf32>,
        %lt3A_288 = arith.cmpf olt, %get3A_279, %select_n3A_273 : vector<16xf32>
        %eq3A_289 = arith.cmpf oeq, %get3A_279, %select_n3A_273 : vector<16xf32>
        %lt3A_290 = arith.cmpi slt, %get3A_283, %select_n3A_274 : vector<16xi32>
        %and3A_291 = arith.andi %eq3A_289, %lt3A_290 : vector<16xi1>
        %or3A_292 = arith.ori %lt3A_288, %and3A_291 : vector<16xi1>
        %select_n3A_293 = arith.select %or3A_292, %get3A_279, %select_n3A_273 : vector<16xi1>, vector<16xf32>
        %select_n3A_294 = arith.select %or3A_292, %get3A_283, %select_n3A_274 : vector<16xi1>, vector<16xi32>
        %select_n3A_295 = arith.select %or3A_292, %get3A_287, %select_n3A_275 : vector<16xi1>, vector<16xf32>
        %add3A_296 = arith.constant 14336 : i32
        %add3A_297 = arith.addi %add3A_296, %mul3A_34 : i32
        %get3A_298 = arith.index_cast %add3A_297 : i32 to index
        %get3A_299 = tpu.vector_load %arg15[%get3A_298] {strides = array<i32>} : memref<16384xf32, #tpu.memory_space<vmem>>, vector<16xf32>,
        %add3A_300 = arith.constant 14336 : i32
        %add3A_301 = arith.addi %add3A_300, %mul3A_34 : i32
        %get3A_302 = arith.index_cast %add3A_301 : i32 to index
        %get3A_303 = tpu.vector_load %arg16[%get3A_302] {strides = array<i32>} : memref<16384xi32, #tpu.memory_space<vmem>>, vector<16xi32>,
        %add3A_304 = arith.constant 14336 : i32
        %add3A_305 = arith.addi %add3A_304, %mul3A_34 : i32
        %get3A_306 = arith.index_cast %add3A_305 : i32 to index
        %get3A_307 = tpu.vector_load %arg17[%get3A_306] {strides = array<i32>} : memref<16384xf32, #tpu.memory_space<vmem>>, vector<16xf32>,
        %lt3A_308 = arith.cmpf olt, %get3A_299, %select_n3A_293 : vector<16xf32>
        %eq3A_309 = arith.cmpf oeq, %get3A_299, %select_n3A_293 : vector<16xf32>
        %lt3A_310 = arith.cmpi slt, %get3A_303, %select_n3A_294 : vector<16xi32>
        %and3A_311 = arith.andi %eq3A_309, %lt3A_310 : vector<16xi1>
        %or3A_312 = arith.ori %lt3A_308, %and3A_311 : vector<16xi1>
        %select_n3A_313 = arith.select %or3A_312, %get3A_299, %select_n3A_293 : vector<16xi1>, vector<16xf32>
        %select_n3A_314 = arith.select %or3A_312, %get3A_303, %select_n3A_294 : vector<16xi1>, vector<16xi32>
        %select_n3A_315 = arith.select %or3A_312, %get3A_307, %select_n3A_295 : vector<16xi1>, vector<16xf32>
        %add3A_316 = arith.constant 15360 : i32
        %add3A_317 = arith.addi %add3A_316, %mul3A_34 : i32
        %get3A_318 = arith.index_cast %add3A_317 : i32 to index
        %get3A_319 = tpu.vector_load %arg15[%get3A_318] {strides = array<i32>} : memref<16384xf32, #tpu.memory_space<vmem>>, vector<16xf32>,
        %add3A_320 = arith.constant 15360 : i32
        %add3A_321 = arith.addi %add3A_320, %mul3A_34 : i32
        %get3A_322 = arith.index_cast %add3A_321 : i32 to index
        %get3A_323 = tpu.vector_load %arg16[%get3A_322] {strides = array<i32>} : memref<16384xi32, #tpu.memory_space<vmem>>, vector<16xi32>,
        %add3A_324 = arith.constant 15360 : i32
        %add3A_325 = arith.addi %add3A_324, %mul3A_34 : i32
        %get3A_326 = arith.index_cast %add3A_325 : i32 to index
        %get3A_327 = tpu.vector_load %arg17[%get3A_326] {strides = array<i32>} : memref<16384xf32, #tpu.memory_space<vmem>>, vector<16xf32>,
        %lt3A_328 = arith.cmpf olt, %get3A_319, %select_n3A_313 : vector<16xf32>
        %eq3A_329 = arith.cmpf oeq, %get3A_319, %select_n3A_313 : vector<16xf32>
        %lt3A_330 = arith.cmpi slt, %get3A_323, %select_n3A_314 : vector<16xi32>
        %and3A_331 = arith.andi %eq3A_329, %lt3A_330 : vector<16xi1>
        %or3A_332 = arith.ori %lt3A_328, %and3A_331 : vector<16xi1>
        %select_n3A_333 = arith.select %or3A_332, %get3A_319, %select_n3A_313 : vector<16xi1>, vector<16xf32>
        %select_n3A_334 = arith.select %or3A_332, %get3A_323, %select_n3A_314 : vector<16xi1>, vector<16xi32>
        %select_n3A_335 = arith.select %or3A_332, %get3A_327, %select_n3A_315 : vector<16xi1>, vector<16xf32>
        %lt3A_336 = arith.constant 9.99999968E+37 : f32
        %lt3A_337 = vector.broadcast %lt3A_336 : f32 to vector<16xf32>
        %lt3A_338 = arith.cmpf olt, %select_n3A_333, %lt3A_337 : vector<16xf32>
        %jit3A = arith.constant 0.000000e+00 : f32
        %broadcast_in_dim3A_339 = vector.broadcast %jit3A : f32 to vector<16xf32>
        %select_n3A_340 = arith.select %lt3A_338, %select_n3A_335, %broadcast_in_dim3A_339 : vector<16xi1>, vector<16xf32>
        %add3A_341 = arith.addf %scan3A_32, %select_n3A_340 : vector<16xf32>
        scf.yield %add3A_341 : vector<16xf32>
      }
      %scan3A_29 = arith.constant 64 : i32
      %swap3A = arith.constant 0 : index
      %swap3A_30 = tpu.vector_load %arg18[%swap3A] {strides = array<i32>} : memref<16xf32, #tpu.memory_space<vmem>>, vector<16xf32>,
      tpu.vector_store %arg18[%swap3A], %scan3A_28 {strides = array<i32>} : memref<16xf32, #tpu.memory_space<vmem>>, vector<16xf32>,
      "tpu.region"() ({
        %run_scoped3A = tpu.sem_alloc : memref<!tpu.dma_semaphore, #tpu.memory_space<semaphore_mem>>
        %dma_start3A = arith.constant 0 : i32
        %dma_start3A_31 = tpu.memref_slice %arg8[%add3A, %dma_start3A] : memref<8x16xf32, #tpu.memory_space<hbm>> -> memref<1x16xf32, #tpu.memory_space<hbm>>
        %dma_start3A_32 = tpu.memref_squeeze %dma_start3A_31 : memref<1x16xf32, #tpu.memory_space<hbm>> -> memref<16xf32, #tpu.memory_space<hbm>>
        %dma_start3A_33 = arith.constant 0 : i32
        %dma_start3A_34 = tpu.memref_slice %arg8[%add3A, %dma_start3A_33] : memref<8x16xf32, #tpu.memory_space<hbm>> -> memref<1x16xf32, #tpu.memory_space<hbm>>
        %dma_start3A_35 = tpu.memref_squeeze %dma_start3A_34 : memref<1x16xf32, #tpu.memory_space<hbm>> -> memref<16xf32, #tpu.memory_space<hbm>>
        tpu.enqueue_dma source(%arg18 : memref<16xf32, #tpu.memory_space<vmem>>) target(%dma_start3A_35 : memref<16xf32, #tpu.memory_space<hbm>>) target_semaphore(%run_scoped3A : memref<!tpu.dma_semaphore, #tpu.memory_space<semaphore_mem>>)
        %dma_wait3A = arith.constant 0 : i32
        %dma_wait3A_36 = tpu.memref_slice %arg8[%add3A, %dma_wait3A] : memref<8x16xf32, #tpu.memory_space<hbm>> -> memref<1x16xf32, #tpu.memory_space<hbm>>
        %dma_wait3A_37 = tpu.memref_squeeze %dma_wait3A_36 : memref<1x16xf32, #tpu.memory_space<hbm>> -> memref<16xf32, #tpu.memory_space<hbm>>
        %dma_wait3A_38 = arith.constant 0 : i32
        %dma_wait3A_39 = tpu.memref_slice %arg8[%add3A, %dma_wait3A_38] : memref<8x16xf32, #tpu.memory_space<hbm>> -> memref<1x16xf32, #tpu.memory_space<hbm>>
        %dma_wait3A_40 = tpu.memref_squeeze %dma_wait3A_39 : memref<1x16xf32, #tpu.memory_space<hbm>> -> memref<16xf32, #tpu.memory_space<hbm>>
        tpu.wait_dma2 semaphore(%run_scoped3A : memref<!tpu.dma_semaphore, #tpu.memory_space<semaphore_mem>>) src(%arg18 : memref<16xf32, #tpu.memory_space<vmem>>) dst(%dma_wait3A_40 : memref<16xf32, #tpu.memory_space<hbm>>)
        tpu.yield
      }) : () -> ()
    } else {
    }
    return
  }
}

module attributes {stable_mosaic.version = 14 : i64} {
  func.func @_tc_body(%arg0: i32, %arg1: memref<32x128xf32, #tpu.memory_space<vmem>>, %arg2: memref<32x128xf32, #tpu.memory_space<vmem>>, %arg3: memref<1x32x128xf32, #tpu.memory_space<vmem>>, %arg4: memref<1x1x2048xf32, #tpu.memory_space<smem>>, %arg5: memref<1x32x128xf32, #tpu.memory_space<vmem>>, %arg6: memref<1x32x128xi32, #tpu.memory_space<vmem>>, %arg7: memref<1x32x128xf32, #tpu.memory_space<vmem>>, %arg8: memref<1x1x1xf32, #tpu.memory_space<smem>>) attributes {dimension_semantics = [#tpu.dimension_semantics<arbitrary>], iteration_bounds = array<i64: 8>, scalar_prefetch = 0 : i64, scratch_operands = 0 : i64, tpu.core_type = #tpu.core_type<tc>, window_params = [{pipeline_mode = #tpu.pipeline_mode<synchronous>, transform_indices = @transform_0, window_bounds = array<i64: 32, 128>}, {pipeline_mode = #tpu.pipeline_mode<synchronous>, transform_indices = @transform_1, window_bounds = array<i64: 32, 128>}, {transform_indices = @transform_2, window_bounds = array<i64: 1, 32, 128>}, {transform_indices = @transform_3, window_bounds = array<i64: 1, 1, 2048>}, {transform_indices = @transform_4, window_bounds = array<i64: 1, 32, 128>}, {transform_indices = @transform_5, window_bounds = array<i64: 1, 32, 128>}, {transform_indices = @transform_6, window_bounds = array<i64: 1, 32, 128>}, {transform_indices = @transform_7, window_bounds = array<i64: 1, 1, 1>}]} {
    %get3A = arith.constant 0 : index
    %get3A_0 = arith.constant 0 : index
    %get3A_1 = vector.load %arg1[%get3A, %get3A_0] : memref<32x128xf32, #tpu.memory_space<vmem>>, vector<32x128xf32>
    %get3A_2 = arith.constant 0 : index
    %get3A_3 = arith.constant 0 : index
    %get3A_4 = vector.load %arg2[%get3A_2, %get3A_3] : memref<32x128xf32, #tpu.memory_space<vmem>>, vector<32x128xf32>
    %broadcast_in_dim3A = arith.constant 0x7F800000 : f32
    %broadcast_in_dim3A_5 = vector.broadcast %broadcast_in_dim3A : f32 to vector<32x128xf32>
    %broadcast_in_dim3A_6 = arith.constant 0 : i32
    %broadcast_in_dim3A_7 = vector.broadcast %broadcast_in_dim3A_6 : i32 to vector<32x128xi32>
    %scan3A = arith.constant 0 : i32
    %scan3A_8 = arith.constant 64 : i32
    %scan3A_9 = arith.addi %scan3A, %scan3A_8 : i32
    %scan3A_10 = arith.constant 1 : i32
    %scan3A_11:2 = scf.for %scan3A_65 = %scan3A to %scan3A_9 step %scan3A_10 iter_args(%scan3A_66 = %broadcast_in_dim3A_5, %scan3A_67 = %broadcast_in_dim3A_7) -> (vector<32x128xf32>, vector<32x128xi32>)  : i32 {
      %mul3A_68 = arith.constant 32 : i32
      %mul3A_69 = arith.muli %scan3A_65, %mul3A_68 : i32
      %add3A_70 = arith.constant 0 : i32
      %add3A_71 = arith.addi %mul3A_69, %add3A_70 : i32
      %get3A_72 = arith.constant 0 : index
      %get3A_73 = arith.constant 0 : index
      %get3A_74 = arith.index_cast %add3A_71 : i32 to index
      %get3A_75 = memref.load %arg4[%get3A_72, %get3A_73, %get3A_74] : memref<1x1x2048xf32, #tpu.memory_space<smem>>
      %add3A_76 = arith.constant 0 : i32
      %add3A_77 = arith.addi %mul3A_69, %add3A_76 : i32
      %add3A_78 = arith.constant 1 : i32
      %add3A_79 = arith.addi %add3A_77, %add3A_78 : i32
      %get3A_80 = arith.constant 0 : index
      %get3A_81 = arith.constant 0 : index
      %get3A_82 = arith.index_cast %add3A_79 : i32 to index
      %get3A_83 = memref.load %arg4[%get3A_80, %get3A_81, %get3A_82] : memref<1x1x2048xf32, #tpu.memory_space<smem>>
      %sub3A_84 = vector.broadcast %get3A_75 : f32 to vector<32x128xf32>
      %sub3A_85 = arith.subf %get3A_1, %sub3A_84 : vector<32x128xf32>
      %sub3A_86 = vector.broadcast %get3A_83 : f32 to vector<32x128xf32>
      %sub3A_87 = arith.subf %get3A_4, %sub3A_86 : vector<32x128xf32>
      %mul3A_88 = arith.mulf %sub3A_87, %sub3A_87 : vector<32x128xf32>
      %mul3A_89 = arith.mulf %sub3A_85, %sub3A_85 : vector<32x128xf32>
      %add3A_90 = arith.constant 0.000000e+00 : f32
      %add3A_91 = vector.broadcast %add3A_90 : f32 to vector<32x128xf32>
      %add3A_92 = arith.addf %mul3A_89, %add3A_91 : vector<32x128xf32>
      %add3A_93 = arith.addf %mul3A_88, %add3A_92 : vector<32x128xf32>
      %add3A_94 = arith.constant 2 : i32
      %add3A_95 = arith.addi %mul3A_69, %add3A_94 : i32
      %get3A_96 = arith.constant 0 : index
      %get3A_97 = arith.constant 0 : index
      %get3A_98 = arith.index_cast %add3A_95 : i32 to index
      %get3A_99 = memref.load %arg4[%get3A_96, %get3A_97, %get3A_98] : memref<1x1x2048xf32, #tpu.memory_space<smem>>
      %add3A_100 = arith.constant 2 : i32
      %add3A_101 = arith.addi %mul3A_69, %add3A_100 : i32
      %add3A_102 = arith.constant 1 : i32
      %add3A_103 = arith.addi %add3A_101, %add3A_102 : i32
      %get3A_104 = arith.constant 0 : index
      %get3A_105 = arith.constant 0 : index
      %get3A_106 = arith.index_cast %add3A_103 : i32 to index
      %get3A_107 = memref.load %arg4[%get3A_104, %get3A_105, %get3A_106] : memref<1x1x2048xf32, #tpu.memory_space<smem>>
      %sub3A_108 = vector.broadcast %get3A_99 : f32 to vector<32x128xf32>
      %sub3A_109 = arith.subf %get3A_1, %sub3A_108 : vector<32x128xf32>
      %sub3A_110 = vector.broadcast %get3A_107 : f32 to vector<32x128xf32>
      %sub3A_111 = arith.subf %get3A_4, %sub3A_110 : vector<32x128xf32>
      %mul3A_112 = arith.mulf %sub3A_111, %sub3A_111 : vector<32x128xf32>
      %mul3A_113 = arith.mulf %sub3A_109, %sub3A_109 : vector<32x128xf32>
      %add3A_114 = arith.constant 3.125000e-02 : f32
      %add3A_115 = vector.broadcast %add3A_114 : f32 to vector<32x128xf32>
      %add3A_116 = arith.addf %mul3A_113, %add3A_115 : vector<32x128xf32>
      %add3A_117 = arith.addf %mul3A_112, %add3A_116 : vector<32x128xf32>
      %min3A = arith.minimumf %add3A_93, %add3A_117 : vector<32x128xf32>
      %add3A_118 = arith.constant 4 : i32
      %add3A_119 = arith.addi %mul3A_69, %add3A_118 : i32
      %get3A_120 = arith.constant 0 : index
      %get3A_121 = arith.constant 0 : index
      %get3A_122 = arith.index_cast %add3A_119 : i32 to index
      %get3A_123 = memref.load %arg4[%get3A_120, %get3A_121, %get3A_122] : memref<1x1x2048xf32, #tpu.memory_space<smem>>
      %add3A_124 = arith.constant 4 : i32
      %add3A_125 = arith.addi %mul3A_69, %add3A_124 : i32
      %add3A_126 = arith.constant 1 : i32
      %add3A_127 = arith.addi %add3A_125, %add3A_126 : i32
      %get3A_128 = arith.constant 0 : index
      %get3A_129 = arith.constant 0 : index
      %get3A_130 = arith.index_cast %add3A_127 : i32 to index
      %get3A_131 = memref.load %arg4[%get3A_128, %get3A_129, %get3A_130] : memref<1x1x2048xf32, #tpu.memory_space<smem>>
      %sub3A_132 = vector.broadcast %get3A_123 : f32 to vector<32x128xf32>
      %sub3A_133 = arith.subf %get3A_1, %sub3A_132 : vector<32x128xf32>
      %sub3A_134 = vector.broadcast %get3A_131 : f32 to vector<32x128xf32>
      %sub3A_135 = arith.subf %get3A_4, %sub3A_134 : vector<32x128xf32>
      %mul3A_136 = arith.mulf %sub3A_135, %sub3A_135 : vector<32x128xf32>
      %mul3A_137 = arith.mulf %sub3A_133, %sub3A_133 : vector<32x128xf32>
      %add3A_138 = arith.constant 6.250000e-02 : f32
      %add3A_139 = vector.broadcast %add3A_138 : f32 to vector<32x128xf32>
      %add3A_140 = arith.addf %mul3A_137, %add3A_139 : vector<32x128xf32>
      %add3A_141 = arith.addf %mul3A_136, %add3A_140 : vector<32x128xf32>
      %add3A_142 = arith.constant 6 : i32
      %add3A_143 = arith.addi %mul3A_69, %add3A_142 : i32
      %get3A_144 = arith.constant 0 : index
      %get3A_145 = arith.constant 0 : index
      %get3A_146 = arith.index_cast %add3A_143 : i32 to index
      %get3A_147 = memref.load %arg4[%get3A_144, %get3A_145, %get3A_146] : memref<1x1x2048xf32, #tpu.memory_space<smem>>
      %add3A_148 = arith.constant 6 : i32
      %add3A_149 = arith.addi %mul3A_69, %add3A_148 : i32
      %add3A_150 = arith.constant 1 : i32
      %add3A_151 = arith.addi %add3A_149, %add3A_150 : i32
      %get3A_152 = arith.constant 0 : index
      %get3A_153 = arith.constant 0 : index
      %get3A_154 = arith.index_cast %add3A_151 : i32 to index
      %get3A_155 = memref.load %arg4[%get3A_152, %get3A_153, %get3A_154] : memref<1x1x2048xf32, #tpu.memory_space<smem>>
      %sub3A_156 = vector.broadcast %get3A_147 : f32 to vector<32x128xf32>
      %sub3A_157 = arith.subf %get3A_1, %sub3A_156 : vector<32x128xf32>
      %sub3A_158 = vector.broadcast %get3A_155 : f32 to vector<32x128xf32>
      %sub3A_159 = arith.subf %get3A_4, %sub3A_158 : vector<32x128xf32>
      %mul3A_160 = arith.mulf %sub3A_159, %sub3A_159 : vector<32x128xf32>
      %mul3A_161 = arith.mulf %sub3A_157, %sub3A_157 : vector<32x128xf32>
      %add3A_162 = arith.constant 9.375000e-02 : f32
      %add3A_163 = vector.broadcast %add3A_162 : f32 to vector<32x128xf32>
      %add3A_164 = arith.addf %mul3A_161, %add3A_163 : vector<32x128xf32>
      %add3A_165 = arith.addf %mul3A_160, %add3A_164 : vector<32x128xf32>
      %min3A_166 = arith.minimumf %add3A_141, %add3A_165 : vector<32x128xf32>
      %min3A_167 = arith.minimumf %min3A, %min3A_166 : vector<32x128xf32>
      %add3A_168 = arith.constant 8 : i32
      %add3A_169 = arith.addi %mul3A_69, %add3A_168 : i32
      %get3A_170 = arith.constant 0 : index
      %get3A_171 = arith.constant 0 : index
      %get3A_172 = arith.index_cast %add3A_169 : i32 to index
      %get3A_173 = memref.load %arg4[%get3A_170, %get3A_171, %get3A_172] : memref<1x1x2048xf32, #tpu.memory_space<smem>>
      %add3A_174 = arith.constant 8 : i32
      %add3A_175 = arith.addi %mul3A_69, %add3A_174 : i32
      %add3A_176 = arith.constant 1 : i32
      %add3A_177 = arith.addi %add3A_175, %add3A_176 : i32
      %get3A_178 = arith.constant 0 : index
      %get3A_179 = arith.constant 0 : index
      %get3A_180 = arith.index_cast %add3A_177 : i32 to index
      %get3A_181 = memref.load %arg4[%get3A_178, %get3A_179, %get3A_180] : memref<1x1x2048xf32, #tpu.memory_space<smem>>
      %sub3A_182 = vector.broadcast %get3A_173 : f32 to vector<32x128xf32>
      %sub3A_183 = arith.subf %get3A_1, %sub3A_182 : vector<32x128xf32>
      %sub3A_184 = vector.broadcast %get3A_181 : f32 to vector<32x128xf32>
      %sub3A_185 = arith.subf %get3A_4, %sub3A_184 : vector<32x128xf32>
      %mul3A_186 = arith.mulf %sub3A_185, %sub3A_185 : vector<32x128xf32>
      %mul3A_187 = arith.mulf %sub3A_183, %sub3A_183 : vector<32x128xf32>
      %add3A_188 = arith.constant 1.250000e-01 : f32
      %add3A_189 = vector.broadcast %add3A_188 : f32 to vector<32x128xf32>
      %add3A_190 = arith.addf %mul3A_187, %add3A_189 : vector<32x128xf32>
      %add3A_191 = arith.addf %mul3A_186, %add3A_190 : vector<32x128xf32>
      %add3A_192 = arith.constant 10 : i32
      %add3A_193 = arith.addi %mul3A_69, %add3A_192 : i32
      %get3A_194 = arith.constant 0 : index
      %get3A_195 = arith.constant 0 : index
      %get3A_196 = arith.index_cast %add3A_193 : i32 to index
      %get3A_197 = memref.load %arg4[%get3A_194, %get3A_195, %get3A_196] : memref<1x1x2048xf32, #tpu.memory_space<smem>>
      %add3A_198 = arith.constant 10 : i32
      %add3A_199 = arith.addi %mul3A_69, %add3A_198 : i32
      %add3A_200 = arith.constant 1 : i32
      %add3A_201 = arith.addi %add3A_199, %add3A_200 : i32
      %get3A_202 = arith.constant 0 : index
      %get3A_203 = arith.constant 0 : index
      %get3A_204 = arith.index_cast %add3A_201 : i32 to index
      %get3A_205 = memref.load %arg4[%get3A_202, %get3A_203, %get3A_204] : memref<1x1x2048xf32, #tpu.memory_space<smem>>
      %sub3A_206 = vector.broadcast %get3A_197 : f32 to vector<32x128xf32>
      %sub3A_207 = arith.subf %get3A_1, %sub3A_206 : vector<32x128xf32>
      %sub3A_208 = vector.broadcast %get3A_205 : f32 to vector<32x128xf32>
      %sub3A_209 = arith.subf %get3A_4, %sub3A_208 : vector<32x128xf32>
      %mul3A_210 = arith.mulf %sub3A_209, %sub3A_209 : vector<32x128xf32>
      %mul3A_211 = arith.mulf %sub3A_207, %sub3A_207 : vector<32x128xf32>
      %add3A_212 = arith.constant 1.562500e-01 : f32
      %add3A_213 = vector.broadcast %add3A_212 : f32 to vector<32x128xf32>
      %add3A_214 = arith.addf %mul3A_211, %add3A_213 : vector<32x128xf32>
      %add3A_215 = arith.addf %mul3A_210, %add3A_214 : vector<32x128xf32>
      %min3A_216 = arith.minimumf %add3A_191, %add3A_215 : vector<32x128xf32>
      %add3A_217 = arith.constant 12 : i32
      %add3A_218 = arith.addi %mul3A_69, %add3A_217 : i32
      %get3A_219 = arith.constant 0 : index
      %get3A_220 = arith.constant 0 : index
      %get3A_221 = arith.index_cast %add3A_218 : i32 to index
      %get3A_222 = memref.load %arg4[%get3A_219, %get3A_220, %get3A_221] : memref<1x1x2048xf32, #tpu.memory_space<smem>>
      %add3A_223 = arith.constant 12 : i32
      %add3A_224 = arith.addi %mul3A_69, %add3A_223 : i32
      %add3A_225 = arith.constant 1 : i32
      %add3A_226 = arith.addi %add3A_224, %add3A_225 : i32
      %get3A_227 = arith.constant 0 : index
      %get3A_228 = arith.constant 0 : index
      %get3A_229 = arith.index_cast %add3A_226 : i32 to index
      %get3A_230 = memref.load %arg4[%get3A_227, %get3A_228, %get3A_229] : memref<1x1x2048xf32, #tpu.memory_space<smem>>
      %sub3A_231 = vector.broadcast %get3A_222 : f32 to vector<32x128xf32>
      %sub3A_232 = arith.subf %get3A_1, %sub3A_231 : vector<32x128xf32>
      %sub3A_233 = vector.broadcast %get3A_230 : f32 to vector<32x128xf32>
      %sub3A_234 = arith.subf %get3A_4, %sub3A_233 : vector<32x128xf32>
      %mul3A_235 = arith.mulf %sub3A_234, %sub3A_234 : vector<32x128xf32>
      %mul3A_236 = arith.mulf %sub3A_232, %sub3A_232 : vector<32x128xf32>
      %add3A_237 = arith.constant 1.875000e-01 : f32
      %add3A_238 = vector.broadcast %add3A_237 : f32 to vector<32x128xf32>
      %add3A_239 = arith.addf %mul3A_236, %add3A_238 : vector<32x128xf32>
      %add3A_240 = arith.addf %mul3A_235, %add3A_239 : vector<32x128xf32>
      %add3A_241 = arith.constant 14 : i32
      %add3A_242 = arith.addi %mul3A_69, %add3A_241 : i32
      %get3A_243 = arith.constant 0 : index
      %get3A_244 = arith.constant 0 : index
      %get3A_245 = arith.index_cast %add3A_242 : i32 to index
      %get3A_246 = memref.load %arg4[%get3A_243, %get3A_244, %get3A_245] : memref<1x1x2048xf32, #tpu.memory_space<smem>>
      %add3A_247 = arith.constant 14 : i32
      %add3A_248 = arith.addi %mul3A_69, %add3A_247 : i32
      %add3A_249 = arith.constant 1 : i32
      %add3A_250 = arith.addi %add3A_248, %add3A_249 : i32
      %get3A_251 = arith.constant 0 : index
      %get3A_252 = arith.constant 0 : index
      %get3A_253 = arith.index_cast %add3A_250 : i32 to index
      %get3A_254 = memref.load %arg4[%get3A_251, %get3A_252, %get3A_253] : memref<1x1x2048xf32, #tpu.memory_space<smem>>
      %sub3A_255 = vector.broadcast %get3A_246 : f32 to vector<32x128xf32>
      %sub3A_256 = arith.subf %get3A_1, %sub3A_255 : vector<32x128xf32>
      %sub3A_257 = vector.broadcast %get3A_254 : f32 to vector<32x128xf32>
      %sub3A_258 = arith.subf %get3A_4, %sub3A_257 : vector<32x128xf32>
      %mul3A_259 = arith.mulf %sub3A_258, %sub3A_258 : vector<32x128xf32>
      %mul3A_260 = arith.mulf %sub3A_256, %sub3A_256 : vector<32x128xf32>
      %add3A_261 = arith.constant 2.187500e-01 : f32
      %add3A_262 = vector.broadcast %add3A_261 : f32 to vector<32x128xf32>
      %add3A_263 = arith.addf %mul3A_260, %add3A_262 : vector<32x128xf32>
      %add3A_264 = arith.addf %mul3A_259, %add3A_263 : vector<32x128xf32>
      %min3A_265 = arith.minimumf %add3A_240, %add3A_264 : vector<32x128xf32>
      %min3A_266 = arith.minimumf %min3A_216, %min3A_265 : vector<32x128xf32>
      %min3A_267 = arith.minimumf %min3A_167, %min3A_266 : vector<32x128xf32>
      %add3A_268 = arith.constant 16 : i32
      %add3A_269 = arith.addi %mul3A_69, %add3A_268 : i32
      %get3A_270 = arith.constant 0 : index
      %get3A_271 = arith.constant 0 : index
      %get3A_272 = arith.index_cast %add3A_269 : i32 to index
      %get3A_273 = memref.load %arg4[%get3A_270, %get3A_271, %get3A_272] : memref<1x1x2048xf32, #tpu.memory_space<smem>>
      %add3A_274 = arith.constant 16 : i32
      %add3A_275 = arith.addi %mul3A_69, %add3A_274 : i32
      %add3A_276 = arith.constant 1 : i32
      %add3A_277 = arith.addi %add3A_275, %add3A_276 : i32
      %get3A_278 = arith.constant 0 : index
      %get3A_279 = arith.constant 0 : index
      %get3A_280 = arith.index_cast %add3A_277 : i32 to index
      %get3A_281 = memref.load %arg4[%get3A_278, %get3A_279, %get3A_280] : memref<1x1x2048xf32, #tpu.memory_space<smem>>
      %sub3A_282 = vector.broadcast %get3A_273 : f32 to vector<32x128xf32>
      %sub3A_283 = arith.subf %get3A_1, %sub3A_282 : vector<32x128xf32>
      %sub3A_284 = vector.broadcast %get3A_281 : f32 to vector<32x128xf32>
      %sub3A_285 = arith.subf %get3A_4, %sub3A_284 : vector<32x128xf32>
      %mul3A_286 = arith.mulf %sub3A_285, %sub3A_285 : vector<32x128xf32>
      %mul3A_287 = arith.mulf %sub3A_283, %sub3A_283 : vector<32x128xf32>
      %add3A_288 = arith.constant 2.500000e-01 : f32
      %add3A_289 = vector.broadcast %add3A_288 : f32 to vector<32x128xf32>
      %add3A_290 = arith.addf %mul3A_287, %add3A_289 : vector<32x128xf32>
      %add3A_291 = arith.addf %mul3A_286, %add3A_290 : vector<32x128xf32>
      %add3A_292 = arith.constant 18 : i32
      %add3A_293 = arith.addi %mul3A_69, %add3A_292 : i32
      %get3A_294 = arith.constant 0 : index
      %get3A_295 = arith.constant 0 : index
      %get3A_296 = arith.index_cast %add3A_293 : i32 to index
      %get3A_297 = memref.load %arg4[%get3A_294, %get3A_295, %get3A_296] : memref<1x1x2048xf32, #tpu.memory_space<smem>>
      %add3A_298 = arith.constant 18 : i32
      %add3A_299 = arith.addi %mul3A_69, %add3A_298 : i32
      %add3A_300 = arith.constant 1 : i32
      %add3A_301 = arith.addi %add3A_299, %add3A_300 : i32
      %get3A_302 = arith.constant 0 : index
      %get3A_303 = arith.constant 0 : index
      %get3A_304 = arith.index_cast %add3A_301 : i32 to index
      %get3A_305 = memref.load %arg4[%get3A_302, %get3A_303, %get3A_304] : memref<1x1x2048xf32, #tpu.memory_space<smem>>
      %sub3A_306 = vector.broadcast %get3A_297 : f32 to vector<32x128xf32>
      %sub3A_307 = arith.subf %get3A_1, %sub3A_306 : vector<32x128xf32>
      %sub3A_308 = vector.broadcast %get3A_305 : f32 to vector<32x128xf32>
      %sub3A_309 = arith.subf %get3A_4, %sub3A_308 : vector<32x128xf32>
      %mul3A_310 = arith.mulf %sub3A_309, %sub3A_309 : vector<32x128xf32>
      %mul3A_311 = arith.mulf %sub3A_307, %sub3A_307 : vector<32x128xf32>
      %add3A_312 = arith.constant 2.812500e-01 : f32
      %add3A_313 = vector.broadcast %add3A_312 : f32 to vector<32x128xf32>
      %add3A_314 = arith.addf %mul3A_311, %add3A_313 : vector<32x128xf32>
      %add3A_315 = arith.addf %mul3A_310, %add3A_314 : vector<32x128xf32>
      %min3A_316 = arith.minimumf %add3A_291, %add3A_315 : vector<32x128xf32>
      %add3A_317 = arith.constant 20 : i32
      %add3A_318 = arith.addi %mul3A_69, %add3A_317 : i32
      %get3A_319 = arith.constant 0 : index
      %get3A_320 = arith.constant 0 : index
      %get3A_321 = arith.index_cast %add3A_318 : i32 to index
      %get3A_322 = memref.load %arg4[%get3A_319, %get3A_320, %get3A_321] : memref<1x1x2048xf32, #tpu.memory_space<smem>>
      %add3A_323 = arith.constant 20 : i32
      %add3A_324 = arith.addi %mul3A_69, %add3A_323 : i32
      %add3A_325 = arith.constant 1 : i32
      %add3A_326 = arith.addi %add3A_324, %add3A_325 : i32
      %get3A_327 = arith.constant 0 : index
      %get3A_328 = arith.constant 0 : index
      %get3A_329 = arith.index_cast %add3A_326 : i32 to index
      %get3A_330 = memref.load %arg4[%get3A_327, %get3A_328, %get3A_329] : memref<1x1x2048xf32, #tpu.memory_space<smem>>
      %sub3A_331 = vector.broadcast %get3A_322 : f32 to vector<32x128xf32>
      %sub3A_332 = arith.subf %get3A_1, %sub3A_331 : vector<32x128xf32>
      %sub3A_333 = vector.broadcast %get3A_330 : f32 to vector<32x128xf32>
      %sub3A_334 = arith.subf %get3A_4, %sub3A_333 : vector<32x128xf32>
      %mul3A_335 = arith.mulf %sub3A_334, %sub3A_334 : vector<32x128xf32>
      %mul3A_336 = arith.mulf %sub3A_332, %sub3A_332 : vector<32x128xf32>
      %add3A_337 = arith.constant 3.125000e-01 : f32
      %add3A_338 = vector.broadcast %add3A_337 : f32 to vector<32x128xf32>
      %add3A_339 = arith.addf %mul3A_336, %add3A_338 : vector<32x128xf32>
      %add3A_340 = arith.addf %mul3A_335, %add3A_339 : vector<32x128xf32>
      %add3A_341 = arith.constant 22 : i32
      %add3A_342 = arith.addi %mul3A_69, %add3A_341 : i32
      %get3A_343 = arith.constant 0 : index
      %get3A_344 = arith.constant 0 : index
      %get3A_345 = arith.index_cast %add3A_342 : i32 to index
      %get3A_346 = memref.load %arg4[%get3A_343, %get3A_344, %get3A_345] : memref<1x1x2048xf32, #tpu.memory_space<smem>>
      %add3A_347 = arith.constant 22 : i32
      %add3A_348 = arith.addi %mul3A_69, %add3A_347 : i32
      %add3A_349 = arith.constant 1 : i32
      %add3A_350 = arith.addi %add3A_348, %add3A_349 : i32
      %get3A_351 = arith.constant 0 : index
      %get3A_352 = arith.constant 0 : index
      %get3A_353 = arith.index_cast %add3A_350 : i32 to index
      %get3A_354 = memref.load %arg4[%get3A_351, %get3A_352, %get3A_353] : memref<1x1x2048xf32, #tpu.memory_space<smem>>
      %sub3A_355 = vector.broadcast %get3A_346 : f32 to vector<32x128xf32>
      %sub3A_356 = arith.subf %get3A_1, %sub3A_355 : vector<32x128xf32>
      %sub3A_357 = vector.broadcast %get3A_354 : f32 to vector<32x128xf32>
      %sub3A_358 = arith.subf %get3A_4, %sub3A_357 : vector<32x128xf32>
      %mul3A_359 = arith.mulf %sub3A_358, %sub3A_358 : vector<32x128xf32>
      %mul3A_360 = arith.mulf %sub3A_356, %sub3A_356 : vector<32x128xf32>
      %add3A_361 = arith.constant 3.437500e-01 : f32
      %add3A_362 = vector.broadcast %add3A_361 : f32 to vector<32x128xf32>
      %add3A_363 = arith.addf %mul3A_360, %add3A_362 : vector<32x128xf32>
      %add3A_364 = arith.addf %mul3A_359, %add3A_363 : vector<32x128xf32>
      %min3A_365 = arith.minimumf %add3A_340, %add3A_364 : vector<32x128xf32>
      %min3A_366 = arith.minimumf %min3A_316, %min3A_365 : vector<32x128xf32>
      %add3A_367 = arith.constant 24 : i32
      %add3A_368 = arith.addi %mul3A_69, %add3A_367 : i32
      %get3A_369 = arith.constant 0 : index
      %get3A_370 = arith.constant 0 : index
      %get3A_371 = arith.index_cast %add3A_368 : i32 to index
      %get3A_372 = memref.load %arg4[%get3A_369, %get3A_370, %get3A_371] : memref<1x1x2048xf32, #tpu.memory_space<smem>>
      %add3A_373 = arith.constant 24 : i32
      %add3A_374 = arith.addi %mul3A_69, %add3A_373 : i32
      %add3A_375 = arith.constant 1 : i32
      %add3A_376 = arith.addi %add3A_374, %add3A_375 : i32
      %get3A_377 = arith.constant 0 : index
      %get3A_378 = arith.constant 0 : index
      %get3A_379 = arith.index_cast %add3A_376 : i32 to index
      %get3A_380 = memref.load %arg4[%get3A_377, %get3A_378, %get3A_379] : memref<1x1x2048xf32, #tpu.memory_space<smem>>
      %sub3A_381 = vector.broadcast %get3A_372 : f32 to vector<32x128xf32>
      %sub3A_382 = arith.subf %get3A_1, %sub3A_381 : vector<32x128xf32>
      %sub3A_383 = vector.broadcast %get3A_380 : f32 to vector<32x128xf32>
      %sub3A_384 = arith.subf %get3A_4, %sub3A_383 : vector<32x128xf32>
      %mul3A_385 = arith.mulf %sub3A_384, %sub3A_384 : vector<32x128xf32>
      %mul3A_386 = arith.mulf %sub3A_382, %sub3A_382 : vector<32x128xf32>
      %add3A_387 = arith.constant 3.750000e-01 : f32
      %add3A_388 = vector.broadcast %add3A_387 : f32 to vector<32x128xf32>
      %add3A_389 = arith.addf %mul3A_386, %add3A_388 : vector<32x128xf32>
      %add3A_390 = arith.addf %mul3A_385, %add3A_389 : vector<32x128xf32>
      %add3A_391 = arith.constant 26 : i32
      %add3A_392 = arith.addi %mul3A_69, %add3A_391 : i32
      %get3A_393 = arith.constant 0 : index
      %get3A_394 = arith.constant 0 : index
      %get3A_395 = arith.index_cast %add3A_392 : i32 to index
      %get3A_396 = memref.load %arg4[%get3A_393, %get3A_394, %get3A_395] : memref<1x1x2048xf32, #tpu.memory_space<smem>>
      %add3A_397 = arith.constant 26 : i32
      %add3A_398 = arith.addi %mul3A_69, %add3A_397 : i32
      %add3A_399 = arith.constant 1 : i32
      %add3A_400 = arith.addi %add3A_398, %add3A_399 : i32
      %get3A_401 = arith.constant 0 : index
      %get3A_402 = arith.constant 0 : index
      %get3A_403 = arith.index_cast %add3A_400 : i32 to index
      %get3A_404 = memref.load %arg4[%get3A_401, %get3A_402, %get3A_403] : memref<1x1x2048xf32, #tpu.memory_space<smem>>
      %sub3A_405 = vector.broadcast %get3A_396 : f32 to vector<32x128xf32>
      %sub3A_406 = arith.subf %get3A_1, %sub3A_405 : vector<32x128xf32>
      %sub3A_407 = vector.broadcast %get3A_404 : f32 to vector<32x128xf32>
      %sub3A_408 = arith.subf %get3A_4, %sub3A_407 : vector<32x128xf32>
      %mul3A_409 = arith.mulf %sub3A_408, %sub3A_408 : vector<32x128xf32>
      %mul3A_410 = arith.mulf %sub3A_406, %sub3A_406 : vector<32x128xf32>
      %add3A_411 = arith.constant 4.062500e-01 : f32
      %add3A_412 = vector.broadcast %add3A_411 : f32 to vector<32x128xf32>
      %add3A_413 = arith.addf %mul3A_410, %add3A_412 : vector<32x128xf32>
      %add3A_414 = arith.addf %mul3A_409, %add3A_413 : vector<32x128xf32>
      %min3A_415 = arith.minimumf %add3A_390, %add3A_414 : vector<32x128xf32>
      %add3A_416 = arith.constant 28 : i32
      %add3A_417 = arith.addi %mul3A_69, %add3A_416 : i32
      %get3A_418 = arith.constant 0 : index
      %get3A_419 = arith.constant 0 : index
      %get3A_420 = arith.index_cast %add3A_417 : i32 to index
      %get3A_421 = memref.load %arg4[%get3A_418, %get3A_419, %get3A_420] : memref<1x1x2048xf32, #tpu.memory_space<smem>>
      %add3A_422 = arith.constant 28 : i32
      %add3A_423 = arith.addi %mul3A_69, %add3A_422 : i32
      %add3A_424 = arith.constant 1 : i32
      %add3A_425 = arith.addi %add3A_423, %add3A_424 : i32
      %get3A_426 = arith.constant 0 : index
      %get3A_427 = arith.constant 0 : index
      %get3A_428 = arith.index_cast %add3A_425 : i32 to index
      %get3A_429 = memref.load %arg4[%get3A_426, %get3A_427, %get3A_428] : memref<1x1x2048xf32, #tpu.memory_space<smem>>
      %sub3A_430 = vector.broadcast %get3A_421 : f32 to vector<32x128xf32>
      %sub3A_431 = arith.subf %get3A_1, %sub3A_430 : vector<32x128xf32>
      %sub3A_432 = vector.broadcast %get3A_429 : f32 to vector<32x128xf32>
      %sub3A_433 = arith.subf %get3A_4, %sub3A_432 : vector<32x128xf32>
      %mul3A_434 = arith.mulf %sub3A_433, %sub3A_433 : vector<32x128xf32>
      %mul3A_435 = arith.mulf %sub3A_431, %sub3A_431 : vector<32x128xf32>
      %add3A_436 = arith.constant 4.375000e-01 : f32
      %add3A_437 = vector.broadcast %add3A_436 : f32 to vector<32x128xf32>
      %add3A_438 = arith.addf %mul3A_435, %add3A_437 : vector<32x128xf32>
      %add3A_439 = arith.addf %mul3A_434, %add3A_438 : vector<32x128xf32>
      %add3A_440 = arith.constant 30 : i32
      %add3A_441 = arith.addi %mul3A_69, %add3A_440 : i32
      %get3A_442 = arith.constant 0 : index
      %get3A_443 = arith.constant 0 : index
      %get3A_444 = arith.index_cast %add3A_441 : i32 to index
      %get3A_445 = memref.load %arg4[%get3A_442, %get3A_443, %get3A_444] : memref<1x1x2048xf32, #tpu.memory_space<smem>>
      %add3A_446 = arith.constant 30 : i32
      %add3A_447 = arith.addi %mul3A_69, %add3A_446 : i32
      %add3A_448 = arith.constant 1 : i32
      %add3A_449 = arith.addi %add3A_447, %add3A_448 : i32
      %get3A_450 = arith.constant 0 : index
      %get3A_451 = arith.constant 0 : index
      %get3A_452 = arith.index_cast %add3A_449 : i32 to index
      %get3A_453 = memref.load %arg4[%get3A_450, %get3A_451, %get3A_452] : memref<1x1x2048xf32, #tpu.memory_space<smem>>
      %sub3A_454 = vector.broadcast %get3A_445 : f32 to vector<32x128xf32>
      %sub3A_455 = arith.subf %get3A_1, %sub3A_454 : vector<32x128xf32>
      %sub3A_456 = vector.broadcast %get3A_453 : f32 to vector<32x128xf32>
      %sub3A_457 = arith.subf %get3A_4, %sub3A_456 : vector<32x128xf32>
      %mul3A_458 = arith.mulf %sub3A_457, %sub3A_457 : vector<32x128xf32>
      %mul3A_459 = arith.mulf %sub3A_455, %sub3A_455 : vector<32x128xf32>
      %add3A_460 = arith.constant 4.687500e-01 : f32
      %add3A_461 = vector.broadcast %add3A_460 : f32 to vector<32x128xf32>
      %add3A_462 = arith.addf %mul3A_459, %add3A_461 : vector<32x128xf32>
      %add3A_463 = arith.addf %mul3A_458, %add3A_462 : vector<32x128xf32>
      %min3A_464 = arith.minimumf %add3A_439, %add3A_463 : vector<32x128xf32>
      %min3A_465 = arith.minimumf %min3A_415, %min3A_464 : vector<32x128xf32>
      %min3A_466 = arith.minimumf %min3A_366, %min3A_465 : vector<32x128xf32>
      %min3A_467 = arith.minimumf %min3A_267, %min3A_466 : vector<32x128xf32>
      %sub3A_468 = arith.constant 1.000000e+00 : f32
      %sub3A_469 = vector.broadcast %sub3A_468 : f32 to vector<32x128xf32>
      %sub3A_470 = arith.subf %scan3A_66, %sub3A_469 : vector<32x128xf32>
      %lt3A = arith.cmpf olt, %min3A_467, %sub3A_470 : vector<32x128xf32>
      %select_n3A = arith.select %lt3A, %min3A_467, %scan3A_66 : vector<32x128xi1>, vector<32x128xf32>
      %broadcast_in_dim3A_471 = vector.broadcast %scan3A_65 : i32 to vector<32x128xi32>
      %select_n3A_472 = arith.select %lt3A, %broadcast_in_dim3A_471, %scan3A_67 : vector<32x128xi1>, vector<32x128xi32>
      scf.yield %select_n3A, %select_n3A_472 : vector<32x128xf32>, vector<32x128xi32>
    }
    %scan3A_12 = arith.constant 64 : i32
    %floor3A = math.floor %scan3A_11#0 : vector<32x128xf32>
    %sub3A = arith.subf %scan3A_11#0, %floor3A : vector<32x128xf32>
    %sub3A_13 = arith.constant 5.000000e-01 : f32
    %sub3A_14 = vector.broadcast %sub3A_13 : f32 to vector<32x128xf32>
    %sub3A_15 = arith.subf %sub3A, %sub3A_14 : vector<32x128xf32>
    %mul3A = arith.constant 3.200000e+01 : f32
    %mul3A_16 = vector.broadcast %mul3A : f32 to vector<32x128xf32>
    %mul3A_17 = arith.mulf %sub3A_15, %mul3A_16 : vector<32x128xf32>
    %add3A = arith.constant 5.000000e-01 : f32
    %add3A_18 = vector.broadcast %add3A : f32 to vector<32x128xf32>
    %add3A_19 = arith.addf %floor3A, %add3A_18 : vector<32x128xf32>
    %mul3A_20 = arith.constant 16 : i32
    %mul3A_21 = vector.broadcast %mul3A_20 : i32 to vector<32x128xi32>
    %mul3A_22 = arith.muli %scan3A_11#1, %mul3A_21 : vector<32x128xi32>
    %convert_element_type3A = arith.fptosi %mul3A_17 : vector<32x128xf32> to vector<32x128xi32>
    %add3A_23 = arith.addi %mul3A_22, %convert_element_type3A : vector<32x128xi32>
    %sqrt3A = math.sqrt %add3A_19 : vector<32x128xf32>
    %swap3A = arith.constant 0 : index
    %swap3A_24 = arith.constant 0 : index
    %swap3A_25 = arith.constant 0 : index
    %swap3A_26 = vector.load %arg5[%swap3A, %swap3A_24, %swap3A_25] : memref<1x32x128xf32, #tpu.memory_space<vmem>>, vector<1x32x128xf32>
    %swap3A_27 = vector.shape_cast %swap3A_26 : vector<1x32x128xf32> to vector<32x128xf32>
    %swap3A_28 = vector.shape_cast %sqrt3A : vector<32x128xf32> to vector<1x32x128xf32>
    tpu.vector_store %arg5[%swap3A, %swap3A_24, %swap3A_25], %swap3A_28 {strides = array<i32>} : memref<1x32x128xf32, #tpu.memory_space<vmem>>, vector<1x32x128xf32>,
    %swap3A_29 = arith.constant 0 : index
    %swap3A_30 = arith.constant 0 : index
    %swap3A_31 = arith.constant 0 : index
    %swap3A_32 = vector.load %arg6[%swap3A_29, %swap3A_30, %swap3A_31] : memref<1x32x128xi32, #tpu.memory_space<vmem>>, vector<1x32x128xi32>
    %swap3A_33 = vector.shape_cast %swap3A_32 : vector<1x32x128xi32> to vector<32x128xi32>
    %swap3A_34 = vector.shape_cast %add3A_23 : vector<32x128xi32> to vector<1x32x128xi32>
    tpu.vector_store %arg6[%swap3A_29, %swap3A_30, %swap3A_31], %swap3A_34 {strides = array<i32>} : memref<1x32x128xi32, #tpu.memory_space<vmem>>, vector<1x32x128xi32>,
    %get3A_35 = arith.constant 0 : index
    %get3A_36 = arith.constant 0 : index
    %get3A_37 = arith.constant 0 : index
    %get3A_38 = vector.load %arg3[%get3A_35, %get3A_36, %get3A_37] : memref<1x32x128xf32, #tpu.memory_space<vmem>>, vector<1x32x128xf32>
    %get3A_39 = vector.shape_cast %get3A_38 : vector<1x32x128xf32> to vector<32x128xf32>
    %max3A = arith.constant 0.000000e+00 : f32
    %max3A_40 = vector.broadcast %max3A : f32 to vector<32x128xf32>
    %max3A_41 = arith.maximumf %get3A_39, %max3A_40 : vector<32x128xf32>
    %abs3A = math.absf %get3A_39 : vector<32x128xf32>
    %neg3A = arith.constant 0.000000e+00 : f32
    %neg3A_42 = vector.broadcast %neg3A : f32 to vector<32x128xf32>
    %neg3A_43 = arith.subf %neg3A_42, %abs3A : vector<32x128xf32>
    %exp3A = math.exp %neg3A_43 : vector<32x128xf32>
    %log1p3A = math.log1p %exp3A : vector<32x128xf32>
    %add3A_44 = arith.addf %max3A_41, %log1p3A : vector<32x128xf32>
    %sub3A_45 = arith.subf %max3A_41, %get3A_39 : vector<32x128xf32>
    %add3A_46 = arith.addf %sub3A_45, %log1p3A : vector<32x128xf32>
    %mul3A_47 = arith.constant 2.000000e+00 : f32
    %mul3A_48 = vector.broadcast %mul3A_47 : f32 to vector<32x128xf32>
    %mul3A_49 = arith.mulf %mul3A_48, %add3A_46 : vector<32x128xf32>
    %sub3A_50 = arith.subf %mul3A_49, %add3A_44 : vector<32x128xf32>
    %swap3A_51 = arith.constant 0 : index
    %swap3A_52 = arith.constant 0 : index
    %swap3A_53 = arith.constant 0 : index
    %swap3A_54 = vector.load %arg7[%swap3A_51, %swap3A_52, %swap3A_53] : memref<1x32x128xf32, #tpu.memory_space<vmem>>, vector<1x32x128xf32>
    %swap3A_55 = vector.shape_cast %swap3A_54 : vector<1x32x128xf32> to vector<32x128xf32>
    %swap3A_56 = vector.shape_cast %sub3A_50 : vector<32x128xf32> to vector<1x32x128xf32>
    tpu.vector_store %arg7[%swap3A_51, %swap3A_52, %swap3A_53], %swap3A_56 {strides = array<i32>} : memref<1x32x128xf32, #tpu.memory_space<vmem>>, vector<1x32x128xf32>,
    %reduce_sum3A = vector.shape_cast %add3A_44 : vector<32x128xf32> to vector<1x32x128xf32>
    %reduce_sum3A_57 = arith.constant dense<0.000000e+00> : vector<1xf32>
    %reduce_sum3A_58 = vector.multi_reduction <add>, %reduce_sum3A, %reduce_sum3A_57 [1, 2] : vector<1x32x128xf32> to vector<1xf32>
    %reduce_sum3A_59 = vector.shape_cast %reduce_sum3A_58 : vector<1xf32> to vector<1x1x1xf32>
    %reduce_sum3A_60 = vector.extract %reduce_sum3A_59[0, 0, 0] : f32 from vector<1x1x1xf32>
    %swap3A_61 = arith.constant 0 : index
    %swap3A_62 = arith.constant 0 : index
    %swap3A_63 = arith.constant 0 : index
    %swap3A_64 = memref.load %arg8[%swap3A_61, %swap3A_62, %swap3A_63] : memref<1x1x1xf32, #tpu.memory_space<smem>>
    memref.store %reduce_sum3A_60, %arg8[%swap3A_61, %swap3A_62, %swap3A_63] : memref<1x1x1xf32, #tpu.memory_space<smem>>
    return
  }
  func.func @transform_0(%arg0: i32) -> (i32, i32) {
    %c0_i32 = arith.constant 0 : i32
    %c0_i32_0 = arith.constant 0 : i32
    %c0_i32_1 = arith.constant 0 : i32
    return %c0_i32, %c0_i32_0 : i32, i32
  }
  func.func @transform_1(%arg0: i32) -> (i32, i32) {
    %c0_i32 = arith.constant 0 : i32
    %c0_i32_0 = arith.constant 0 : i32
    %c0_i32_1 = arith.constant 0 : i32
    return %c0_i32, %c0_i32_0 : i32, i32
  }
  func.func @transform_2(%arg0: i32) -> (i32, i32, i32) {
    %c0_i32 = arith.constant 0 : i32
    %c0_i32_0 = arith.constant 0 : i32
    %c0_i32_1 = arith.constant 0 : i32
    return %arg0, %c0_i32, %c0_i32_0 : i32, i32, i32
  }
  func.func @transform_3(%arg0: i32) -> (i32, i32, i32) {
    %c0_i32 = arith.constant 0 : i32
    %c0_i32_0 = arith.constant 0 : i32
    %c0_i32_1 = arith.constant 0 : i32
    return %arg0, %c0_i32, %c0_i32_0 : i32, i32, i32
  }
  func.func @transform_4(%arg0: i32) -> (i32, i32, i32) {
    %c0_i32 = arith.constant 0 : i32
    %c0_i32_0 = arith.constant 0 : i32
    %c0_i32_1 = arith.constant 0 : i32
    return %arg0, %c0_i32, %c0_i32_0 : i32, i32, i32
  }
  func.func @transform_5(%arg0: i32) -> (i32, i32, i32) {
    %c0_i32 = arith.constant 0 : i32
    %c0_i32_0 = arith.constant 0 : i32
    %c0_i32_1 = arith.constant 0 : i32
    return %arg0, %c0_i32, %c0_i32_0 : i32, i32, i32
  }
  func.func @transform_6(%arg0: i32) -> (i32, i32, i32) {
    %c0_i32 = arith.constant 0 : i32
    %c0_i32_0 = arith.constant 0 : i32
    %c0_i32_1 = arith.constant 0 : i32
    return %arg0, %c0_i32, %c0_i32_0 : i32, i32, i32
  }
  func.func @transform_7(%arg0: i32) -> (i32, i32, i32) {
    %c0_i32 = arith.constant 0 : i32
    %c0_i32_0 = arith.constant 0 : i32
    %c0_i32_1 = arith.constant 0 : i32
    return %arg0, %c0_i32, %c0_i32_0 : i32, i32, i32
  }
}

</mosaic_0001>

<sc_bundles>
// kernel: kernel.4.cloned.1.call-start
scs
__scs_entry_jumppad:
0x0: {  	(pc) =	sbr.rel $0x88, $3  }
0x1: {  	(tag) =	ssettag $0x0;
	lr =	simm.s32 $0x1  }
0x2: {  	[smem:$0x3F9E] =	sst lr;
	_ =	strace $0xD0000000  }
0x3: {  	_ = 	snop  }
0x4: {  	_ = 	snop  }
0x5: {  	_ = 	snop  }
0x6: {  	_ = 	snop  }
0x7: {  	_ = 	snop  }
__scs_overlays_trampoline_lowered:
0x8: {  	[smem:$0x3FAD] =	sst s0  }
0x9: {  	[smem:$0x3FAE] =	sst s1  }
0xa: {  	[smem:$0x3FAF] =	sst s2  }
0xb: {  	[smem:$0x3FB0] =	sst s3  }
0xc: {  	[smem:$0x3FB1] =	sst s4  }
0xd: {  	[smem:$0x3FB2] =	sst s5  }
0xe: {  	[smem:$0x3FB3] =	sst s6  }
0xf: {  	[smem:$0x3FB4] =	sst s7  }
0x10: {  	[smem:$0x3FB5] =	sst s8  }
0x11: {  	[smem:$0x3FB6] =	sst s9;
	s0 =	simm.s32 @!p0 $0x0  }
0x12: {  	s1 =	sld [smem:$0x3F9C];
	s0 =	simm.s32 @p0 $0x1  }
0x13: {  	[smem:$0x3FB7] =	sst s0;
	s0 =	simm.s32 @!p1 $0x0  }
0x14: {  	s2 =	sld [smem:$0x3F9B];
	s0 =	simm.s32 @p1 $0x1  }
0x15: {  	[smem:$0x3FB8] =	sst s0;
	s0 =	simm.s32 @!p2 $0x0  }
0x16: {  	s3 =	sld [smem:$0x3FDB];
	s0 =	simm.s32 @p2 $0x1  }
0x17: {  	s4 =	simm.s32 $0x1BF5;
	[smem:$0x3FBA] =	sst s0  }
0x18: {  	s0 =	sld [smem:$0x3F9D];
	_ =	swait.ge [sflag:s4], $0x0  }
0x19: {  	s7 =	sld [smem:$0x3F9E]  }
0x1a: {  	s8 =	sadd.s32 $0xFFFFE003, lr  }
0x1b: {  	s9 =	sadd.s32 $0xFFFFFEF7, lr;
	s5 =	simm.s32 $0xFFFFFFFF;
	p2 =	slt.u32 s8, $0xFFFFF086  }
0x1c: {  	p1 =	slt.u32 s9, $0xF7A;
	s5 =	simm.s32 @!p2 $0x0  }
0x1d: {  	s5 =	simm.s32 @p1 $0x1;
	p0 =	seq.s32 s7, s2  }
0x1e: {  	s7 =	smul.u32 @!p0 $0xF7A, s2;
	p2 =	seq.s32 @!p0 s5, $0x0  }
0x1f: {  	s9 =	smul.u32 $0xF7A, s1;
	s8 =	simm.s32 @!p0 $0x1BF5;
	p2 =	por !p2, p0  }
0x20: {  	[sflag:s8] =	ssyncset.s32 @!p0 $0xFFFFF086;
	s6 =	sadd.s32 @!p0 s3, s7;
	s7 =	simm.s32 @!p0 $0x108  }
0x21: {  	s3 =	sadd.s32 s3, s9;
	s6 =	sadd.s32 @!p0 $0x88, s6;
	s7 =	simm.s32 @p2 $0x1082  }
0x22: {  	[simem:s7], [sflag:s8] =	dma.local @!p0 [hbm:s6], $0xF7A  }
0x23: {  	s9 =	sor.u32 $0xD0000000, s2;
	s6 =	simm.s32 $0x108;
	_ =	swait.ge @!p0 [sflag:s8], $0x0  }
0x24: {  	s3 =	sadd.s32 $0x88, s3;
	s6 =	simm.s32 @!p1 $0x1082;
	[sflag:s4] =	ssyncset.s32 $0xFFFFF086  }
0x25: {  	[simem:s6], [sflag:s4] =	dma.local [hbm:s3], $0xF7A  }
0x26: {  	[smem:$0x3F9E] =	sst s1;
	(tag) =	ssettag s2;
	_ =	strace s9  }
0x27: {  	s1 =	sld [smem:$0x3FAE]  }
0x28: {  	s2 =	sld [smem:$0x3FAF]  }
0x29: {  	s4 =	sld [smem:$0x3FB1]  }
0x2a: {  	p0 =	seq.s32 s5, $0x0;
	s5 =	sld [smem:$0x3FB2]  }
0x2b: {  	s6 =	sld [smem:$0x3FB3]  }
0x2c: {  	s7 =	sld [smem:$0x3FB4]  }
0x2d: {  	s3 =	simm.s32 $0x108;
	s8 =	sld [smem:$0x3FB5]  }
0x2e: {  	s3 =	simm.s32 @!p0 $0x1082;
	s9 =	sld [smem:$0x3FB6]  }
0x2f: {  	lr =	sadd.s32 s0, s3;
	s0 =	sld [smem:$0x3FAD]  }
0x30: {  	s3 =	sld [smem:$0x3FB0]  }
0x31: {  	[smem:$0x3FB9] =	sst s10  }
0x32: {  	s10 =	sld [smem:$0x3FB7];
	_ =	sdelay $0x3  }
0x33: {  	p0 =	seq.s32 s10, $0x1;
	s10 =	sld [smem:$0x3FB9];
	_ =	sdelay $0x3  }
0x34: {  	[smem:$0x3FB9] =	sst s10  }
0x35: {  	s10 =	sld [smem:$0x3FB8];
	_ =	sdelay $0x3  }
0x36: {  	p1 =	seq.s32 s10, $0x1;
	s10 =	sld [smem:$0x3FB9];
	_ =	sdelay $0x3  }
0x37: {  	[smem:$0x3FB9] =	sst s10  }
0x38: {  	s10 =	sld [smem:$0x3FBA]  }
0x39: {  	_ = 	snop;
	(pc) =	sbr.ind lr, $3  }
0x3a: {  	_ = 	snop  }
0x3b: {  	_ = 	snop  }
0x3c: {  	p2 =	seq.s32 s10, $0x1;
	s10 =	sld [smem:$0x3FB9]  }
0x3d: {  	_ =	shalt  }
0x3e: {  	_ =	shalt  }
0x3f: {  	_ =	shalt  }
0x40: {  	_ =	shalt  }
0x41: {  	_ =	shalt  }
0x42: {  	_ =	shalt  }
0x43: {  	_ =	shalt  }
0x44: {  	_ =	shalt  }
0x45: {  	_ =	shalt  }
0x46: {  	_ =	shalt  }
0x47: {  	_ =	shalt  }
0x48: {  	_ =	shalt  }
0x49: {  	_ =	shalt  }
0x4a: {  	_ =	shalt  }
0x4b: {  	_ =	shalt  }
0x4c: {  	_ =	shalt  }
0x4d: {  	_ =	shalt  }
0x4e: {  	_ =	shalt  }
0x4f: {  	_ =	shalt  }
0x50: {  	_ =	shalt  }
0x51: {  	_ =	shalt  }
0x52: {  	_ =	shalt  }
0x53: {  	_ =	shalt  }
0x54: {  	_ =	shalt  }
0x55: {  	_ =	shalt  }
0x56: {  	_ =	shalt  }
0x57: {  	_ =	shalt  }
0x58: {  	_ =	shalt  }
0x59: {  	_ =	shalt  }
0x5a: {  	_ =	shalt  }
0x5b: {  	_ =	shalt  }
0x5c: {  	_ =	shalt  }
0x5d: {  	_ =	shalt  }
0x5e: {  	_ =	shalt  }
0x5f: {  	_ =	shalt  }
0x60: {  	_ =	shalt  }
0x61: {  	_ =	shalt  }
0x62: {  	_ =	shalt  }
0x63: {  	_ =	shalt  }
0x64: {  	_ =	shalt  }
0x65: {  	_ =	shalt  }
0x66: {  	_ =	shalt  }
0x67: {  	_ =	shalt  }
0x68: {  	_ =	shalt  }
0x69: {  	_ =	shalt  }
0x6a: {  	_ =	shalt  }
0x6b: {  	_ =	shalt  }
0x6c: {  	_ =	shalt  }
0x6d: {  	_ =	shalt  }
0x6e: {  	_ =	shalt  }
0x6f: {  	_ =	shalt  }
0x70: {  	_ =	shalt  }
0x71: {  	_ =	shalt  }
0x72: {  	_ =	shalt  }
0x73: {  	_ =	shalt  }
0x74: {  	_ =	shalt  }
0x75: {  	_ =	shalt  }
0x76: {  	_ =	shalt  }
0x77: {  	_ =	shalt  }
0x78: {  	_ =	shalt  }
0x79: {  	_ =	shalt  }
0x7a: {  	_ =	shalt  }
0x7b: {  	_ =	shalt  }
0x7c: {  	_ =	shalt  }
0x7d: {  	_ =	shalt  }
0x7e: {  	_ =	shalt  }
0x7f: {  	_ =	shalt  }
0x80: {  	_ =	shalt  }
0x81: {  	_ =	shalt  }
0x82: {  	_ =	shalt  }
0x83: {  	_ =	shalt  }
0x84: {  	_ =	shalt  }
0x85: {  	_ =	shalt  }
0x86: {  	_ =	shalt  }
0x87: {  	_ =	shalt  }
.Lfunc_end0:
.L_simem_size_0:
called_computation_lowered:
.L_overlay_start_0:
0x88: {  	s2 =	sld [smem:$0x3FD9]  }
0x89: {  	s3 =	sld [smem:$0x3FFE];
	_ =	sdelay $0x1  }
0x8a: {  	s1 =	srdreg.scid  }
0x8b: {  	s0 =	sand.u32 $0x1, s1  }
0x8c: {  	s16 =	sshll.u32 s0, $0xA;
	s2 =	sadd.s32 s3, s2  }
0x8d: {  	s2 =	sadd.s32 s2, s16  }
0x8e: {  	[smem:$0x3FC5] =	sst s2  }
0x8f: {  	_ = 	snop  }
0x90: {  	(tm) =	ssettm $0x1  }
0x91: {  	s17 =	sld [smem:$0x3FFB];
	_ =	sdelay $0x3  }
0x92: {  	_ =	strace s17  }
0x93: {  	s2 =	sld [smem:$0x3FFC];
	_ =	sdelay $0x3  }
0x94: {  	_ =	strace s2  }
0x95: {  	s2 =	sld [smem:$0x3FFD];
	_ =	sdelay $0x3  }
0x96: {  	_ =	strace s2  }
0x97: {  	_ =	strace $0x8FFFFFFF  }
0x98: {  	s18 =	sld [smem:$0x3FDB];
	_ =	sdelay $0x1  }
0x99: {  	s19 =	simm.s32 $_scs_section_size  }
0x9a: {  	s4 =	simm.s32 $_size__tile_overlayer_lowered;
	s5 =	simm.s32 $_tile_overlayer_lowered  }
0x9b: {  	s22 =	simm.s32 $0x1BFF;
	s21 =	sshll.u32 s5, $0x1;
	s2 =	sadd.s32 s19, s18  }
0x9c: {  	s6 =	simm.s32 $0x0;
	s20 =	sshll.u32 s4, $0x1;
	s4 =	sadd.s32 s21, s2  }
0x9d: {  	[timem:s6], [sflag:s22] =	dma.local [hbm:s4], s20  }
0x9e: {  	_ =	swait.ge [sflag:s22], s20  }
0x9f: {  	s3 =	ssub.s32 $0x0, s20;
	[sflag:s22] =	ssyncset.done $0x0  }
0xa0: {  	[sflag:s22] =	ssyncadd.s32 s3;
	_ =	sdelay $0x1  }
0xa1: {  	s23 =	simm.s32 $0x1B8B  }
0xa2: {  	_ =	swait.ge [sflag:s23], $0x1  }
0xa3: {  	[sflag:s23] =	ssyncset.done $0x0  }
0xa4: {  	s25 =	simm.s32 $0x1B8E;
	s24 =	sld [smem:$0x3FFE];
	[sflag:s23] =	ssyncadd.s32 $0xFFFFFFFF  }
0xa5: {  	s26 =	simm.s32 $execute0_lowered;
	[smem:$0x3FD2] =	sst s25  }
0xa6: {  	s4 =	sshll.u32 s26, $0x1;
	_ =	strace $0x80000046;
	[dreg:$0x1] =	wrdreg $0xFFFFFFFF  }
0xa7: {  	s28 =	simm.s32 $_size_execute0_lowered;
	s2 =	sadd.s32 s2, s4;
	[dreg:$0x0] =	wrdreg $0x0  }
0xa8: {  	s4 =	sshll.u32 s28, $0x1;
	[dreg:$0x2] =	wrdreg s2  }
0xa9: {  	[dreg:$0x3] =	wrdreg s4  }
0xaa: {  	[dreg:$0x4] =	wrdreg $0xC0  }
0xab: {  	_ =	task [dreg:s6], $0x5FFFF  }
0xac: {  	[dreg:$0x1] =	wrdreg $0xFFFFFFFF  }
0xad: {  	[dreg:$0x0] =	wrdreg $0x60  }
0xae: {  	[dreg:$0x2] =	wrdreg s24  }
0xaf: {  	[dreg:$0x3] =	wrdreg $0x9  }
0xb0: {  	_ =	task.clear_ibuf [dreg:s6], $0x4FFFF;
	_ =	strace $0x90000046  }
0xb1: {  	s29 =	simm.s32 $0x9;
	_ =	strace $0x80000048  }
0xb2: {  	_ =	swait.ge [sflag:s29], $0x1  }
0xb3: {  	[sflag:s29] =	ssyncadd.s32 $0xFFFFFFFF  }
0xb4: {  	_ =	strace $0x90000048  }
0xb5: {  	_ =	sfence  }
0xb6: {  	s30 =	sld [smem:$0x0];
	_ =	sdelay $0x2  }
0xb7: {  	s31 =	sshll.u32 s1, $0xD;
	s1 =	sshrl.u32 s1, $0x2  }
0xb8: {  	s3 =	sand.u32 $0x4000, s31;
	s1 =	sadd.s32 s1, s30  }
0xb9: {  	s0 =	sor.u32 s3, s0;
	s1 =	sshll.u32 s1, $0x11  }
0xba: {  	s0 =	sor.u32 s1, s0  }
0xbb: {  	s0 =	sadd.s32 $0x8F2B, s0  }
0xbc: {  	[sflag:s0] =	ssyncadd.remote.s32 $0x1  }
0xbd: {  	_ =	sfence.sel $0xFFFF  }
0xbe: {  	[dreg:$0x0] =	wrdreg $0xFFFFFFFF;
	(pc) =	sbr.abs _section_cstart, $3  }
0xbf: {  	[dreg:$0x1] =	wrdreg $0xFFFFFFFF  }
0xc0: {  	_ =	task.clear_ibuf [dreg:s6], $0x2FFFF;
	_ =	strace $0x9FFFFFFF  }
0xc1: {  	(tm) =	ssettm $0x7FFFFFFF  }
tec
execute0_lowered:
.L_overlay_start_1:
0x0: {  	(tag) =	ssettag $0x1  }
0x1: {  	s1 =	stileid.u32  }
0x2: {  	p0 =	sgt.u32 s1, $0x3  }
.Ltmp0:
0x3: {  	_ = 	snop;
	(pc) =	sbr.rel @p0 .LBB2_11-.Ltmp0, $4  }
0x4: {  	_ = 	snop  }
0x5: {  	s5 =	rddreg [dreg:$0x0];
	s2 =	simm.s32 $0x0  }
0x6: {  	[smem:$0x7FF] =	sst s2  }
0x7: {  	s0 =	rddreg [dreg:$0x1];
	_ =	strace $0x80000047  }
0x8: {  	s3 =	srdreg.scid;
	s31 =	sshll.u32 s1, $0x5;
	s9 =	sadd.s32 $0x3000, s5  }
0x9: {  	s13 =	simm.s32 $0x1;
	s14 =	simm.s32 $0x1000;
	s15 =	simm.s32 $0x2000  }
0xa: {  	s16 =	simm.s32 $0x3000;
	s17 =	simm.s32 $0x4000;
	s18 =	simm.s32 $0x8400  }
0xb: {  	s19 =	simm.s32 $0x8000;
	s20 =	simm.s32 $0xC400;
	s6 =	sand.u32 $0x1, s3  }
0xc: {  	s21 =	simm.s32 $0x10400;
	s22 =	simm.s32 $0x14400;
	s4 =	sshll.u32 s6, $0x4  }
0xd: {  	s23 =	simm.s32 $0x0;
	s11 =	ssub.s32 $0x2, s6;
	s10 =	sor.u32 s4, s31  }
0xe: {  	s3 =	sadd.s32 $0x4800, s5;
	s12 =	sshrl.u32 s11, $0x1;
	s4 =	sadd.s32 s5, s10  }
0xf: {  	s5 =	sadd.s32 $0x4000, s5;
	s11 =	ssub.s32 s11, s12;
	s9 =	sadd.s32 s9, s10  }
0x10: {  	v0 =	vlaneseq.u32;
	s12 =	simm.s32 $0x400;
	s6 =	sadd.s32 $0x2000, s4;
	s7 =	sadd.s32 $0x1000, s4  }
0x11: {  	v1 =	vmul.u32 $0x400, v0;
	s8 =	sadd.s32 $0x5000, s4;
	s10 =	smax.u32 s11, $0x1;
	s11 =	simm.s32 $0x80  }
.LBB2_2:
0x12: {  	s24 =	simm.s32 $0x0  }
0x13: {  	[tilespmem:s24], [sflag:$0x1] =	stream.strided.gather [hbm4b:s9+s11], $0x1000, s12, s11, $0x38;
	[tilespmem:$0x14480] =	vst v63  }
0x14: {  	_ =	swait.ge [sflag:s13], $0x1000  }
0x15: {  	[sflag:s13] =	ssyncset.done $0x0  }
0x16: {  	[sflag:s13] =	ssyncadd.s32 $0xFFFFF000  }
0x17: {  	[tilespmem:s14], [sflag:$0x1] =	stream.strided.gather [hbm4b:s4+s11], $0x1000, s12, s11, $0x38;
	[tilespmem:$0x14480] =	vst v63  }
0x18: {  	_ =	swait.ge [sflag:s13], $0x1000  }
0x19: {  	[sflag:s13] =	ssyncset.done $0x0  }
0x1a: {  	[sflag:s13] =	ssyncadd.s32 $0xFFFFF000  }
0x1b: {  	[tilespmem:s15], [sflag:$0x1] =	stream.strided.gather [hbm4b:s6+s11], $0x1000, s12, s11, $0x38;
	[tilespmem:$0x14480] =	vst v63  }
0x1c: {  	_ =	swait.ge [sflag:s13], $0x1000  }
0x1d: {  	[sflag:s13] =	ssyncset.done $0x0  }
0x1e: {  	[sflag:s13] =	ssyncadd.s32 $0xFFFFF000  }
0x1f: {  	[tilespmem:s16], [sflag:$0x1] =	stream.strided.gather [hbm4b:s7+s11], $0x1000, s12, s11, $0x38;
	[tilespmem:$0x14480] =	vst v63  }
0x20: {  	_ =	swait.ge [sflag:s13], $0x1000  }
0x21: {  	[sflag:s13] =	ssyncset.done $0x0  }
0x22: {  	[sflag:s13] =	ssyncadd.s32 $0xFFFFF000  }
0x23: {  	[tilespmem:s17], [sflag:$0x1] =	stream.linear.gather [hbm4b:s3+s24], $0x4000, $0x38;
	[tilespmem:$0x14480] =	vst v63  }
0x24: {  	_ =	swait.ge [sflag:s13], $0x4000  }
0x25: {  	[sflag:s13] =	ssyncset.done $0x0  }
0x26: {  	[sflag:s13] =	ssyncadd.s32 $0xFFFFC000  }
0x27: {  	[tilespmem:s18], [sflag:$0x1] =	stream.linear.gather [hbm4b:s5+s24], $0x4000, $0x38;
	[tilespmem:$0x14480] =	vst v63  }
0x28: {  	_ =	swait.ge [sflag:s13], $0x4000  }
0x29: {  	[sflag:s13] =	ssyncset.done $0x0  }
0x2a: {  	s25 =	simm.s32 $0x0;
	[sflag:s13] =	ssyncadd.s32 $0xFFFFC000  }
.LBB2_3:
0x2b: {  	s26 =	sshra.s32 s25, $0x2  }
0x2c: {  	v2 =	vld [tilespmem:s26+$0x2000];
	_ =	sdelay $0x4  }
0x2d: {  	v3 =	vld [tilespmem:s26+$0x0];
	v2 =	vadd.s32 v1, v2;
	_ =	sdelay $0x3  }
0x2e: {  	s26 =	simm.s32 $0x4000  }
0x2f: {  	vm0 =	vlt.f32 v3, $9.600000000e+01;
	v4 =	vld.idx.msk [tilespmem:v2+s26+$0x0], $0xffff  }
0x30: {  	p0 =	sne.s32 s25, $0x3FC0  }
.Ltmp1:
0x31: {  	_ = 	snop;
	(pc) =	sbr.rel @p0 .LBB2_3-.Ltmp1, $3  }
0x32: {  	_ =	sdelay $0x1  }
0x33: {  	v3 =	vmax.f32 v4, v3  }
0x34: {  	s25 =	sadd.s32 $0x40, s25;
	[tilespmem:v2+s26+$0x0] =	vst.idx.msk vm0, v3  }
0x35: {  	s24 =	sand.u32 $0x3F0, s24;
	v3 =	vld [tilespmem:s26+$0x0]  }
0x36: {  	v2 =	vld [tilespmem:s24+$0x4400]  }
0x37: {  	v4 =	vld [tilespmem:s24+$0x4800]  }
0x38: {  	v5 =	vld [tilespmem:s24+$0x4C00]  }
0x39: {  	v6 =	vld [tilespmem:s24+$0x5000]  }
0x3a: {  	v7 =	vld [tilespmem:s24+$0x5400]  }
0x3b: {  	v2 =	vmax.f32 v3, v2;
	v3 =	vld [tilespmem:s24+$0x5800]  }
0x3c: {  	v56 =	vld [tilespmem:s24+$0x5C00];
	v2 =	vmax.f32 v2, v4  }
0x3d: {  	v57 =	vld [tilespmem:s24+$0x6000];
	v2 =	vmax.f32 v2, v5  }
0x3e: {  	v58 =	vld [tilespmem:s24+$0x6400];
	v2 =	vmax.f32 v2, v6  }
0x3f: {  	v59 =	vld [tilespmem:s24+$0x6800];
	v2 =	vmax.f32 v2, v7  }
0x40: {  	v2 =	vmax.f32 v2, v3;
	v3 =	vld [tilespmem:s24+$0x6C00]  }
0x41: {  	v60 =	vld [tilespmem:s24+$0x7000];
	v2 =	vmax.f32 v2, v56  }
0x42: {  	v61 =	vld [tilespmem:s24+$0x7400];
	v2 =	vmax.f32 v2, v57  }
0x43: {  	v62 =	vld [tilespmem:s24+$0x7800];
	v2 =	vmax.f32 v2, v58  }
0x44: {  	v63 =	vld [tilespmem:s24+$0x7C00];
	v2 =	vmax.f32 v2, v59  }
0x45: {  	v2 =	vmax.f32 v2, v3  }
0x46: {  	v2 =	vmax.f32 v2, v60  }
0x47: {  	v2 =	vmax.f32 v2, v61  }
0x48: {  	v2 =	vmax.f32 v2, v62  }
0x49: {  	v2 =	vmax.f32 v2, v63  }
0x4a: {  	v2 =	vmax.f32 v2, $8.000000000e+00  }
0x4b: {  	s25 =	simm.s32 $0x10;
	s24 =	simm.s32 $0x8000;
	v2 =	vmin.f32 v2, $9.600000000e+01  }
0x4c: {  	s25 =	sand.u32 $0x3F0, s25;
	[tilespmem:s24+$0x0] =	vst v2  }
0x4d: {  	s28 =	simm.s32 $0x20;
	s26 =	simm.s32 $0x4010;
	v2 =	vld [tilespmem:s25+$0x4400]  }
.LBB2_5:
0x4e: {  	p0 =	sne.s32 s28, $0x3F0;
	v3 =	vld [tilespmem:s26+$0x0]  }
0x4f: {  	v4 =	vld [tilespmem:s25+$0x4800]  }
0x50: {  	v5 =	vld [tilespmem:s25+$0x4C00]  }
0x51: {  	v6 =	vld [tilespmem:s25+$0x5000]  }
0x52: {  	v7 =	vld [tilespmem:s25+$0x5400]  }
0x53: {  	v2 =	vmax.f32 v3, v2;
	v3 =	vld [tilespmem:s25+$0x5800]  }
0x54: {  	v2 =	vmax.f32 v2, v4;
	v4 =	vld [tilespmem:s25+$0x5C00]  }
0x55: {  	v2 =	vmax.f32 v2, v5;
	v5 =	vld [tilespmem:s25+$0x6000]  }
0x56: {  	v2 =	vmax.f32 v2, v6;
	v6 =	vld [tilespmem:s25+$0x6400]  }
0x57: {  	v2 =	vmax.f32 v2, v7;
	v7 =	vld [tilespmem:s25+$0x6800]  }
0x58: {  	v2 =	vmax.f32 v2, v3;
	v3 =	vld [tilespmem:s25+$0x6C00]  }
0x59: {  	v2 =	vmax.f32 v2, v4;
	v4 =	vld [tilespmem:s25+$0x7000]  }
0x5a: {  	v2 =	vmax.f32 v2, v5;
	v5 =	vld [tilespmem:s25+$0x7400]  }
0x5b: {  	v2 =	vmax.f32 v2, v6;
	v6 =	vld [tilespmem:s25+$0x7800]  }
0x5c: {  	v2 =	vmax.f32 v2, v7;
	v7 =	vld [tilespmem:s25+$0x7C00]  }
0x5d: {  	v2 =	vmax.f32 v2, v3  }
0x5e: {  	v2 =	vmax.f32 v2, v4  }
0x5f: {  	v2 =	vmax.f32 v2, v5  }
0x60: {  	v2 =	vmax.f32 v2, v6  }
.Ltmp2:
0x61: {  	v2 =	vmax.f32 v2, v7;
	(pc) =	sbr.rel @p0 .LBB2_5-.Ltmp2, $4  }
0x62: {  	v2 =	vmax.f32 v2, $8.000000000e+00  }
0x63: {  	s24 =	sadd.s32 $0x10, s24;
	v2 =	vmin.f32 v2, $9.600000000e+01  }
0x64: {  	s25 =	sand.u32 $0x3F0, s28;
	[tilespmem:s24+$0x0] =	vst v2  }
0x65: {  	s26 =	sadd.s32 $0x10, s26;
	s28 =	sadd.s32 $0x10, s28;
	v2 =	vld [tilespmem:s25+$0x4400]  }
0x66: {  	v3 =	vld [tilespmem:s26+$0x0]  }
0x67: {  	v4 =	vld [tilespmem:s25+$0x4800]  }
0x68: {  	v5 =	vld [tilespmem:s25+$0x4C00]  }
0x69: {  	v6 =	vld [tilespmem:s25+$0x5000]  }
0x6a: {  	v7 =	vld [tilespmem:s25+$0x5400]  }
0x6b: {  	v2 =	vmax.f32 v3, v2;
	v3 =	vld [tilespmem:s25+$0x5800]  }
0x6c: {  	v56 =	vld [tilespmem:s25+$0x5C00];
	v2 =	vmax.f32 v2, v4  }
0x6d: {  	v57 =	vld [tilespmem:s25+$0x6000];
	v2 =	vmax.f32 v2, v5  }
0x6e: {  	v58 =	vld [tilespmem:s25+$0x6400];
	v2 =	vmax.f32 v2, v6  }
0x6f: {  	v59 =	vld [tilespmem:s25+$0x6800];
	v2 =	vmax.f32 v2, v7  }
0x70: {  	v2 =	vmax.f32 v2, v3;
	v3 =	vld [tilespmem:s25+$0x6C00]  }
0x71: {  	v60 =	vld [tilespmem:s25+$0x7000];
	v2 =	vmax.f32 v2, v56  }
0x72: {  	v61 =	vld [tilespmem:s25+$0x7400];
	v2 =	vmax.f32 v2, v57  }
0x73: {  	v62 =	vld [tilespmem:s25+$0x7800];
	v2 =	vmax.f32 v2, v58  }
0x74: {  	v63 =	vld [tilespmem:s25+$0x7C00];
	v2 =	vmax.f32 v2, v59  }
0x75: {  	v2 =	vmax.f32 v2, v3  }
0x76: {  	v2 =	vmax.f32 v2, v60  }
0x77: {  	v2 =	vmax.f32 v2, v61  }
0x78: {  	v2 =	vmax.f32 v2, v62  }
0x79: {  	v2 =	vmax.f32 v2, v63  }
0x7a: {  	v2 =	vmax.f32 v2, $8.000000000e+00  }
0x7b: {  	s31 =	sadd.s32 $0x10, s24;
	s24 =	simm.s32 $0x0;
	s26 =	simm.s32 $0x1000;
	v2 =	vmin.f32 v2, $9.600000000e+01  }
0x7c: {  	s28 =	simm.s32 $0x3000;
	s29 =	simm.s32 $0x0;
	s25 =	simm.s32 $0x2000;
	[tilespmem:s31+$0x0] =	vst v2  }
.LBB2_7:
0x7d: {  	v2 =	vld [tilespmem:s25+$0x0];
	_ =	sdelay $0x7  }
0x7e: {  	v3 =	vld.idx.msk [tilespmem:v2+s19+$0x0], $0xffff;
	_ =	sdelay $0x4  }
0x7f: {  	(erf) = vrcp.f32 v3;
	_ =	sdelay $0x4  }
0x80: {  	v2 =	vadd.s32 v1, v2;
	v3 =	vld [tilespmem:s24+$0x0];
	_ =	sdelay $0x3  }
0x81: {  	v4 =	vld [tilespmem:s26+$0x0];
	v5 =	vpop (erf)  }
0x82: {  	v6 =	vld.idx.msk [tilespmem:v2+s18+$0x0], $0xffff;
	v5 =	vmul.f32 v5, v3  }
0x83: {  	v7 =	vld.idx.msk [tilespmem:v2+s20+$0x0], $0xffff  }
0x84: {  	v5 =	vmul.f32 $8.000000000e+00, v5;
	_ =	sdelay $0x1  }
0x85: {  	v4 =	vsub.f32 v5, v4  }
0x86: {  	v63 =	vor.u32 s29, v0  }
0x87: {  	vm1 =	vlt.s32 v63, v7;
	vm0 =	veq.f32 v4, v6  }
0x88: {  	vm2 =	vlt.f32 v4, v6;
	vm0 =	vmand vm1, vm0  }
0x89: {  	vm15 =	vlt.f32 v3, $9.600000000e+01;
	vm0 =	vmor vm2, vm0  }
0x8a: {  	vm0 =	vmand vm15, vm0;
	_ =	sdelay $0x2  }
0x8b: {  	p0 =	sne.s32 s29, $0xFF0;
	v3 =	vld [tilespmem:s28+$0x0]  }
.Ltmp3:
0x8c: {  	_ = 	snop;
	(pc) =	sbr.rel @p0 .LBB2_7-.Ltmp3, $4  }
0x8d: {  	_ = 	snop  }
0x8e: {  	[tilespmem:v2+s18+$0x0] =	vst.idx.msk vm0, v4  }
0x8f: {  	s25 =	sadd.s32 $0x10, s25;
	s26 =	sadd.s32 $0x10, s26;
	[tilespmem:v2+s20+$0x0] =	vst.idx.msk vm0, v63  }
0x90: {  	s29 =	sadd.s32 $0x10, s29;
	s24 =	sadd.s32 $0x10, s24;
	s28 =	sadd.s32 $0x10, s28;
	[tilespmem:v2+s21+$0x0] =	vst.idx.msk vm0, v3  }
0x91: {  	s24 =	simm.s32 $0xFFFFFC00  }
0x92: {  	v2 =	vld [tilespmem:s24+$0x8800]  }
0x93: {  	v3 =	vld [tilespmem:s24+$0xC800]  }
0x94: {  	v4 =	vld [tilespmem:s24+$0x8C00]  }
0x95: {  	v5 =	vld [tilespmem:s24+$0xCC00];
	_ =	sdelay $0x2  }
0x96: {  	v6 =	vld [tilespmem:s24+$0x9000]  }
0x97: {  	v7 =	vld [tilespmem:s24+$0xD000]  }
0x98: {  	vm0 =	veq.f32 v4, v2;
	vm1 =	vlt.s32 v5, v3  }
0x99: {  	vm2 =	vlt.f32 v4, v2;
	vm0 =	vmand vm0, vm1  }
0x9a: {  	v8 =	vld [tilespmem:s24+$0x9400];
	vm0 =	vmor vm2, vm0  }
0x9b: {  	v2 =	vsel vm0, v4, v2;
	v3 =	vsel vm0, v5, v3;
	v4 =	vld [tilespmem:s24+$0xD400]  }
0x9c: {  	vm1 =	veq.f32 v6, v2;
	vm2 =	vlt.s32 v7, v3  }
0x9d: {  	vm3 =	vlt.f32 v6, v2;
	vm1 =	vmand vm1, vm2  }
0x9e: {  	v9 =	vld [tilespmem:s24+$0x9800];
	vm10 =	vmor vm3, vm1  }
0x9f: {  	v6 =	vsel vm10, v6, v2;
	v3 =	vsel vm10, v7, v3;
	v7 =	vld [tilespmem:s24+$0xD800]  }
0xa0: {  	v10 =	vld [tilespmem:s24+$0x9C00];
	vm1 =	veq.f32 v8, v6;
	vm2 =	vlt.s32 v4, v3  }
0xa1: {  	v11 =	vld [tilespmem:s24+$0xDC00];
	vm3 =	vlt.f32 v8, v6;
	vm1 =	vmand vm1, vm2  }
0xa2: {  	v12 =	vld [tilespmem:s24+$0xA000];
	vm1 =	vmor vm3, vm1  }
0xa3: {  	v13 =	vld [tilespmem:s24+$0xE000];
	v8 =	vsel vm1, v8, v6;
	v4 =	vsel vm1, v4, v3  }
0xa4: {  	v14 =	vld [tilespmem:s24+$0xA400];
	vm2 =	veq.f32 v9, v8;
	vm3 =	vlt.s32 v7, v4  }
0xa5: {  	v16 =	vld [tilespmem:s24+$0xAC00];
	vm4 =	vlt.f32 v9, v8;
	vm2 =	vmand vm2, vm3  }
0xa6: {  	s25 =	simm.s32 $0xFFFFFC10;
	v15 =	vld [tilespmem:s24+$0xA800];
	vm3 =	vmor vm4, vm2  }
0xa7: {  	v19 =	vld [tilespmem:s25+$0x8800];
	v9 =	vsel vm3, v9, v8;
	v4 =	vsel vm3, v7, v4  }
0xa8: {  	v20 =	vld [tilespmem:s25+$0xC800];
	vm2 =	veq.f32 v10, v9;
	vm4 =	vlt.s32 v11, v4  }
0xa9: {  	v21 =	vld [tilespmem:s25+$0x8C00];
	vm5 =	vlt.f32 v10, v9;
	vm2 =	vmand vm2, vm4  }
0xaa: {  	v22 =	vld [tilespmem:s24+$0x10C00];
	vm4 =	vmor vm5, vm2  }
0xab: {  	v9 =	vsel vm4, v10, v9;
	v4 =	vsel vm4, v11, v4;
	v10 =	vld [tilespmem:s24+$0xE400]  }
0xac: {  	v24 =	vld [tilespmem:s24+$0xB000];
	vm2 =	veq.f32 v12, v9;
	vm5 =	vlt.s32 v13, v4  }
0xad: {  	v25 =	vld [tilespmem:s24+$0xF000];
	vm6 =	vlt.f32 v12, v9;
	vm2 =	vmand vm2, vm5  }
0xae: {  	v17 =	vld [tilespmem:s25+$0x9000];
	vm5 =	vmor vm6, vm2  }
0xaf: {  	v9 =	vsel vm5, v12, v9;
	v4 =	vsel vm5, v13, v4;
	v12 =	vld [tilespmem:s24+$0xE800]  }
0xb0: {  	v18 =	vld [tilespmem:s25+$0xD000];
	vm2 =	veq.f32 v14, v9;
	vm6 =	vlt.s32 v10, v4  }
0xb1: {  	v5 =	vld [tilespmem:s24+$0x14000];
	vm7 =	vlt.f32 v14, v9;
	vm2 =	vmand vm2, vm6  }
0xb2: {  	v11 =	vld [tilespmem:s24+$0x10800];
	vm6 =	vmor vm7, vm2  }
0xb3: {  	v13 =	vld [tilespmem:s24+$0xEC00];
	v9 =	vsel vm6, v14, v9;
	v10 =	vsel vm6, v10, v4  }
0xb4: {  	v2 =	vld [tilespmem:s24+$0x14400];
	vm2 =	veq.f32 v15, v9;
	vm7 =	vlt.s32 v12, v10  }
0xb5: {  	v14 =	vld [tilespmem:s25+$0xCC00];
	vm8 =	vlt.f32 v15, v9;
	vm2 =	vmand vm2, vm7  }
0xb6: {  	vm0 =	vmmov vm0;
	v6 =	vld [tilespmem:s24+$0x13400];
	vm7 =	vmor vm8, vm2  }
0xb7: {  	v3 =	vld [tilespmem:s24+$0xC400];
	v26 =	vsel vm0, v22, v11;
	v9 =	vsel vm7, v15, v9;
	v12 =	vsel vm7, v12, v10  }
0xb8: {  	v8 =	vld [tilespmem:s24+$0x12400];
	v4 =	vimm.f32 $0.0e+00;
	vm8 =	veq.f32 v16, v9;
	vm9 =	vlt.s32 v13, v12  }
0xb9: {  	v7 =	vld [tilespmem:s24+$0xC000];
	vm2 =	veq.f32 v21, v19;
	vm12 =	vlt.f32 v16, v9;
	vm8 =	vmand vm8, vm9  }
0xba: {  	v10 =	vld [tilespmem:s24+$0xB400];
	vm11 =	vlt.s32 v14, v20;
	vm9 =	vlt.f32 v21, v19;
	vm8 =	vmor vm12, vm8  }
0xbb: {  	v15 =	vld [tilespmem:s24+$0xF400];
	vm2 =	vmand vm2, vm11;
	v9 =	vsel vm8, v16, v9;
	v13 =	vsel vm8, v13, v12  }
0xbc: {  	v11 =	vld [tilespmem:s24+$0x11400];
	vm2 =	vmor vm9, vm2;
	vm0 =	veq.f32 v24, v9;
	vm9 =	vlt.s32 v25, v13  }
0xbd: {  	v22 =	vsel vm2, v21, v19;
	v19 =	vld [tilespmem:s24+$0x11000];
	vm11 =	vlt.f32 v24, v9;
	vm0 =	vmand vm0, vm9  }
0xbe: {  	v23 =	vsel vm2, v14, v20;
	v12 =	vld [tilespmem:s24+$0xB800];
	vm12 =	vlt.f32 v17, v22;
	vm9 =	vmor vm11, vm0  }
0xbf: {  	vm0 =	veq.f32 v17, v22;
	v20 =	vsel vm9, v24, v9;
	v21 =	vsel vm9, v25, v13;
	v13 =	vld [tilespmem:s24+$0xF800]  }
0xc0: {  	v16 =	vld [tilespmem:s25+$0x9400];
	vm11 =	vlt.s32 v18, v23;
	vm13 =	veq.f32 v10, v20;
	vm14 =	vlt.s32 v15, v21  }
0xc1: {  	v14 =	vld [tilespmem:s25+$0xD400];
	vm0 =	vmand vm0, vm11;
	vm11 =	vlt.f32 v10, v20;
	vm13 =	vmand vm13, vm14  }
0xc2: {  	s26 =	simm.s32 $0xFFFFF080;
	v9 =	vld [tilespmem:s24+$0xBC00];
	vm0 =	vmor vm12, vm0;
	v19 =	vsel vm10, v19, v26;
	vm10 =	vmor vm11, vm13  }
.LBB2_9:
0xc3: {  	p0 =	sne.s32 s26, $0xFFFFFFC0;
	v17 =	vsel vm0, v17, v22;
	v10 =	vsel vm10, v10, v20;
	v15 =	vsel vm10, v15, v21;
	v20 =	vld [tilespmem:s24+$0xFC00]  }
0xc4: {  	v18 =	vsel vm0, v18, v23;
	v21 =	vld [tilespmem:s24+$0x11800];
	vm11 =	veq.f32 v12, v10;
	vm12 =	vlt.s32 v13, v15  }
0xc5: {  	vm14 =	vlt.f32 v12, v10;
	vm13 =	vlt.f32 v16, v17;
	v22 =	vld [tilespmem:s24+$0x11C00];
	vm11 =	vmand vm11, vm12  }
0xc6: {  	vm12 =	veq.f32 v16, v17;
	vm15 =	vlt.s32 v14, v18;
	v23 =	vld [tilespmem:s24+$0x12000];
	vm11 =	vmor vm14, vm11  }
0xc7: {  	vm12 =	vmand vm12, vm15;
	v10 =	vsel vm11, v12, v10;
	v12 =	vsel vm11, v13, v15;
	v13 =	vld [tilespmem:s24+$0x10000]  }
0xc8: {  	v11 =	vsel vm1, v11, v19;
	v15 =	vld [tilespmem:s24+$0x12800];
	vm1 =	veq.f32 v9, v10;
	vm14 =	vlt.s32 v20, v12  }
0xc9: {  	v11 =	vsel vm3, v21, v11;
	v19 =	vld [tilespmem:s24+$0x12C00];
	vm3 =	vlt.f32 v9, v10;
	vm14 =	vmand vm1, vm14  }
0xca: {  	vm1 =	vmor vm13, vm12;
	v11 =	vsel vm4, v22, v11;
	v21 =	vld [tilespmem:s24+$0x13000];
	vm3 =	vmor vm3, vm14  }
0xcb: {  	v11 =	vsel vm5, v23, v11;
	v9 =	vsel vm3, v9, v10;
	v10 =	vsel vm3, v20, v12;
	v12 =	vld [tilespmem:s24+$0x10400]  }
0xcc: {  	v8 =	vsel vm6, v8, v11;
	v11 =	vld [tilespmem:s24+$0x13800];
	vm4 =	veq.f32 v7, v9;
	vm5 =	vlt.s32 v13, v10  }
0xcd: {  	vm6 =	vlt.f32 v7, v9;
	v8 =	vsel vm7, v15, v8;
	v15 =	vld [tilespmem:s24+$0x13C00];
	vm4 =	vmand vm4, vm5;
	s24 =	smov.u32 s25  }
0xce: {  	v16 =	vsel vm1, v16, v17;
	v17 =	vld [tilespmem:s24+$0x9800];
	v8 =	vsel vm8, v19, v8;
	vm4 =	vmor vm6, vm4  }
0xcf: {  	v19 =	vld [tilespmem:s24+$0xD800];
	v8 =	vsel vm9, v21, v8;
	v7 =	vsel vm4, v7, v9;
	v9 =	vsel vm4, v13, v10  }
0xd0: {  	v10 =	vld [tilespmem:s24+$0x14400];
	v6 =	vsel vm10, v6, v8;
	vm5 =	veq.f32 v3, v7;
	vm6 =	vlt.s32 v12, v9  }
0xd1: {  	vm7 =	vlt.f32 v3, v7;
	v8 =	vld [tilespmem:s24+$0x14000];
	v6 =	vsel vm11, v11, v6;
	vm5 =	vmand vm5, vm6  }
0xd2: {  	v9 =	vsel vm1, v14, v18;
	v11 =	vld [tilespmem:s24+$0x9C00];
	v6 =	vsel vm3, v15, v6;
	vm3 =	vmor vm7, vm5  }
0xd3: {  	vm5 =	veq.f32 v17, v16;
	v12 =	vld [tilespmem:s24+$0xDC00];
	v5 =	vsel vm4, v5, v6;
	v3 =	vsel vm3, v3, v7  }
0xd4: {  	vm4 =	vlt.s32 v19, v9;
	v6 =	vld [tilespmem:s24+$0x13400];
	v7 =	vsel vm3, v2, v5;
	vm3 =	vlt.f32 v3, $9.999999680e+37  }
0xd5: {  	vm6 =	vlt.f32 v17, v16;
	vm4 =	vmand vm5, vm4;
	v3 =	vld [tilespmem:s24+$0xC400];
	v7 =	vnsel vm3, $0x0, v7;
	v2 =	vmovc v10  }
0xd6: {  	vm9 =	vmmov vm2;
	vm3 =	vmor vm6, vm4;
	v10 =	vld [tilespmem:s24+$0xA000];
	v4 =	vadd.f32 v7, v4;
	v5 =	vmovc v8  }
0xd7: {  	v13 =	vsel vm3, v17, v16;
	v9 =	vsel vm3, v19, v9;
	v14 =	vld [tilespmem:s24+$0xE000]  }
0xd8: {  	vm2 =	veq.f32 v11, v13;
	vm4 =	vlt.s32 v12, v9;
	v8 =	vld [tilespmem:s24+$0x12400]  }
0xd9: {  	vm5 =	vlt.f32 v11, v13;
	vm2 =	vmand vm2, vm4;
	v7 =	vld [tilespmem:s24+$0xC000]  }
0xda: {  	vm4 =	vmor vm5, vm2;
	v15 =	vld [tilespmem:s24+$0xA400]  }
0xdb: {  	v11 =	vsel vm4, v11, v13;
	v9 =	vsel vm4, v12, v9;
	v12 =	vld [tilespmem:s24+$0xE400]  }
0xdc: {  	v13 =	vld [tilespmem:s24+$0x10800];
	vm2 =	veq.f32 v10, v11;
	vm5 =	vlt.s32 v14, v9  }
0xdd: {  	vm6 =	vlt.f32 v10, v11;
	vm2 =	vmand vm2, vm5;
	v16 =	vld [tilespmem:s24+$0xAC00]  }
0xde: {  	vm5 =	vmor vm6, vm2;
	v17 =	vld [tilespmem:s24+$0xA800]  }
0xdf: {  	v10 =	vsel vm5, v10, v11;
	v9 =	vsel vm5, v14, v9;
	v11 =	vld [tilespmem:s24+$0xE800]  }
0xe0: {  	s25 =	sshra.s32 s26, $0x2;
	vm2 =	veq.f32 v15, v10;
	vm6 =	vlt.s32 v12, v9;
	v14 =	vld [tilespmem:s24+$0xEC00]  }
0xe1: {  	vm7 =	vlt.f32 v15, v10;
	v19 =	vld [tilespmem:s25+$0x8800];
	vm2 =	vmand vm2, vm6  }
0xe2: {  	v20 =	vld [tilespmem:s25+$0xC800];
	vm6 =	vmor vm7, vm2  }
0xe3: {  	v21 =	vld [tilespmem:s25+$0x8C00];
	v10 =	vsel vm6, v15, v10;
	v9 =	vsel vm6, v12, v9  }
0xe4: {  	v12 =	vld [tilespmem:s25+$0xCC00];
	vm2 =	veq.f32 v17, v10;
	vm7 =	vlt.s32 v11, v9  }
0xe5: {  	vm8 =	vlt.f32 v17, v10;
	v22 =	vld [tilespmem:s24+$0x10C00];
	vm2 =	vmand vm2, vm7  }
0xe6: {  	vm7 =	vmor vm8, vm2;
	v24 =	vld [tilespmem:s24+$0xB000]  }
0xe7: {  	v23 =	vsel vm7, v17, v10;
	v9 =	vsel vm7, v11, v9;
	v25 =	vld [tilespmem:s24+$0xF000]  }
0xe8: {  	vm2 =	veq.f32 v21, v19;
	vm8 =	veq.f32 v16, v23;
	vm10 =	vlt.s32 v14, v9;
	v10 =	vld [tilespmem:s24+$0xB400]  }
0xe9: {  	vm12 =	vlt.f32 v16, v23;
	vm11 =	vlt.s32 v12, v20;
	v17 =	vld [tilespmem:s25+$0x9000];
	vm8 =	vmand vm8, vm10  }
0xea: {  	vm10 =	vlt.f32 v21, v19;
	vm2 =	vmand vm2, vm11;
	vm8 =	vmor vm12, vm8;
	v15 =	vld [tilespmem:s24+$0xF400]  }
0xeb: {  	vm2 =	vmor vm10, vm2;
	v18 =	vld [tilespmem:s25+$0xD000];
	v16 =	vsel vm8, v16, v23;
	v9 =	vsel vm8, v14, v9  }
0xec: {  	v26 =	vsel vm9, v22, v13;
	v11 =	vld [tilespmem:s24+$0x11400];
	vm9 =	veq.f32 v24, v16;
	vm10 =	vlt.s32 v25, v9  }
0xed: {  	v22 =	vsel vm2, v21, v19;
	vm11 =	vlt.f32 v24, v16;
	v19 =	vld [tilespmem:s24+$0x11000];
	vm9 =	vmand vm9, vm10  }
.Ltmp4:
0xee: {  	v23 =	vsel vm2, v12, v20;
	vm10 =	vlt.f32 v17, v22;
	vm9 =	vmor vm11, vm9;
	v12 =	vld [tilespmem:s24+$0xB800];
	(pc) =	sbr.rel @p0 .LBB2_9-.Ltmp4, $4  }
0xef: {  	vm11 =	veq.f32 v17, v22;
	v20 =	vsel vm9, v24, v16;
	v21 =	vsel vm9, v25, v9;
	v13 =	vld [tilespmem:s24+$0xF800]  }
0xf0: {  	vm12 =	vlt.s32 v18, v23;
	v16 =	vld [tilespmem:s25+$0x9400];
	vm13 =	veq.f32 v10, v20;
	vm14 =	vlt.s32 v15, v21  }
0xf1: {  	vm11 =	vmand vm11, vm12;
	v14 =	vld [tilespmem:s25+$0xD400];
	vm12 =	vlt.f32 v10, v20;
	vm13 =	vmand vm13, vm14  }
0xf2: {  	s26 =	sadd.s32 $0x40, s26;
	v19 =	vsel vm0, v19, v26;
	vm0 =	vmor vm10, vm11;
	vm10 =	vmor vm12, vm13;
	v9 =	vld [tilespmem:s24+$0xBC00]  }
0xf3: {  	v24 =	vld [tilespmem:s24+$0xFC00]  }
0xf4: {  	v25 =	vld [tilespmem:s25+$0x9800]  }
0xf5: {  	v40 =	vld [tilespmem:s25+$0xD800]  }
0xf6: {  	v17 =	vsel vm0, v17, v22;
	v18 =	vsel vm0, v18, v23;
	v41 =	vld [tilespmem:s24+$0x11800]  }
0xf7: {  	v26 =	vld [tilespmem:s24+$0x11C00];
	vm11 =	veq.f32 v16, v17;
	vm12 =	vlt.s32 v14, v18  }
0xf8: {  	v42 =	vld [tilespmem:s25+$0x9C00];
	vm13 =	vlt.f32 v16, v17;
	vm11 =	vmand vm11, vm12  }
0xf9: {  	v45 =	vld [tilespmem:s25+$0xDC00];
	vm11 =	vmor vm13, vm11  }
0xfa: {  	v27 =	vimm.s32 $0x0;
	v46 =	vld [tilespmem:s24+$0x12000];
	v43 =	vsel vm11, v16, v17;
	v44 =	vsel vm11, v14, v18  }
0xfb: {  	v28 =	vld [tilespmem:s24+$0x10000];
	v27 =	vsel vm11, $0xFFFFFFFF, v27;
	vm12 =	veq.f32 v25, v43;
	vm11 =	vlt.s32 v40, v44  }
0xfc: {  	v10 =	vsel vm10, v10, v20;
	v47 =	vld [tilespmem:s25+$0xA000];
	vm14 =	vlt.f32 v25, v43;
	vm12 =	vmand vm12, vm11  }
0xfd: {  	v15 =	vsel vm10, v15, v21;
	v48 =	vld [tilespmem:s25+$0xE000];
	v11 =	vsel vm1, v11, v19;
	vm12 =	vmor vm14, vm12  }
0xfe: {  	v49 =	vld [tilespmem:s24+$0x12800];
	vm2 =	vmmov vm2;
	v16 =	vsel vm12, v25, v43;
	v14 =	vsel vm12, v40, v44  }
0xff: {  	v50 =	vld [tilespmem:s24+$0x12C00];
	vm15 =	vlt.s32 v13, v15;
	vm1 =	veq.f32 v42, v16;
	vm11 =	vlt.s32 v45, v14  }
0x100: {  	v51 =	vld [tilespmem:s25+$0xA400];
	vm13 =	veq.f32 v12, v10;
	vm1 =	vmand vm1, vm11;
	vm11 =	vlt.f32 v42, v16  }
0x101: {  	v52 =	vld [tilespmem:s25+$0xE400];
	v11 =	vsel vm3, v41, v11;
	vm13 =	vmand vm13, vm15;
	vm11 =	vmor vm11, vm1  }
0x102: {  	v53 =	vld [tilespmem:s24+$0x13000];
	vm15 =	vlt.f32 v12, v10;
	v16 =	vsel vm11, v42, v16;
	v14 =	vsel vm11, v45, v14  }
0x103: {  	v35 =	vld [tilespmem:s25+$0x10800];
	v11 =	vsel vm4, v26, v11;
	vm3 =	veq.f32 v47, v16;
	vm1 =	vlt.s32 v48, v14  }
0x104: {  	v37 =	vld [tilespmem:s25+$0x10C00];
	vm13 =	vmor vm15, vm13;
	vm3 =	vmand vm3, vm1;
	vm1 =	vlt.f32 v47, v16  }
0x105: {  	v56 =	vld [tilespmem:s25+$0xA800];
	v11 =	vsel vm5, v46, v11;
	v10 =	vsel vm13, v12, v10;
	vm3 =	vmor vm1, vm3  }
0x106: {  	v57 =	vld [tilespmem:s25+$0xE800];
	v55 =	vsel vm13, v13, v15;
	v16 =	vsel vm3, v47, v16;
	v14 =	vsel vm3, v48, v14  }
0x107: {  	v54 =	vld [tilespmem:s24+$0x10400];
	vm15 =	veq.f32 v9, v10;
	vm4 =	veq.f32 v51, v16;
	vm5 =	vlt.s32 v52, v14  }
0x108: {  	v58 =	vld [tilespmem:s24+$0x13800];
	vm1 =	vlt.s32 v24, v55;
	vm4 =	vmand vm4, vm5;
	vm5 =	vlt.f32 v51, v16  }
0x109: {  	v60 =	vld [tilespmem:s25+$0xAC00];
	v46 =	vsel vm2, v37, v35;
	vm14 =	vmand vm15, vm1;
	vm4 =	vmor vm5, vm4  }
0x10a: {  	v61 =	vld [tilespmem:s25+$0xEC00];
	vm1 =	vlt.f32 v9, v10;
	v16 =	vsel vm4, v51, v16;
	v14 =	vsel vm4, v52, v14  }
0x10b: {  	v59 =	vld [tilespmem:s24+$0x13C00];
	vm14 =	vmor vm1, vm14;
	vm1 =	veq.f32 v56, v16;
	vm15 =	vlt.s32 v57, v14  }
0x10c: {  	v63 =	vld [tilespmem:s25+$0xC400];
	v8 =	vsel vm6, v8, v11;
	vm5 =	vmand vm1, vm15;
	vm1 =	vlt.f32 v56, v16  }
0x10d: {  	v29 =	vld [tilespmem:s25+$0xB000];
	v8 =	vsel vm7, v49, v8;
	v62 =	vsel vm14, v9, v10;
	vm5 =	vmor vm1, vm5  }
0x10e: {  	v30 =	vld [tilespmem:s25+$0xF000];
	v13 =	vsel vm14, v24, v55;
	v15 =	vsel vm5, v56, v16;
	v14 =	vsel vm5, v57, v14  }
0x10f: {  	v31 =	vld [tilespmem:s25+$0x12400];
	vm15 =	veq.f32 v7, v62;
	vm6 =	veq.f32 v60, v15;
	vm7 =	vlt.s32 v61, v14  }
0x110: {  	v32 =	vld [tilespmem:s25+$0xC000];
	vm1 =	vlt.s32 v28, v13;
	vm6 =	vmand vm6, vm7;
	vm7 =	vlt.f32 v60, v15  }
0x111: {  	v33 =	vld [tilespmem:s25+$0xB400];
	v8 =	vsel vm8, v50, v8;
	vm8 =	vmand vm15, vm1;
	vm6 =	vmor vm7, vm6  }
0x112: {  	v34 =	vld [tilespmem:s25+$0xF400];
	vm1 =	vlt.f32 v7, v62;
	v15 =	vsel vm6, v60, v15;
	v14 =	vsel vm6, v61, v14  }
0x113: {  	v38 =	vld [tilespmem:s25+$0xB800];
	vm15 =	vmor vm1, vm8;
	vm7 =	veq.f32 v29, v15;
	vm1 =	vlt.s32 v30, v14  }
0x114: {  	v39 =	vld [tilespmem:s25+$0xF800];
	v8 =	vsel vm9, v53, v8;
	vm7 =	vmand vm7, vm1;
	vm1 =	vlt.f32 v29, v15  }
0x115: {  	v41 =	vld [tilespmem:s25+$0x11000];
	v6 =	vsel vm10, v6, v8;
	v36 =	vsel vm15, v7, v62;
	vm7 =	vmor vm1, vm7  }
0x116: {  	v11 =	vld [tilespmem:s25+$0x13400];
	v13 =	vsel vm15, v28, v13;
	v15 =	vsel vm7, v29, v15;
	v14 =	vsel vm7, v30, v14  }
0x117: {  	v40 =	vld [tilespmem:s25+$0x11400];
	vm8 =	veq.f32 v3, v36;
	vm9 =	veq.f32 v33, v15;
	vm10 =	vlt.s32 v34, v14  }
0x118: {  	[tilespmem:$0x1FFF0] =	vst v27;
	v43 =	vld [tilespmem:s25+$0xFC00];
	vm1 =	vlt.s32 v54, v13;
	vm9 =	vmand vm9, vm10;
	vm10 =	vlt.f32 v33, v15  }
0x119: {  	v50 =	vld [tilespmem:$0x1FFF0];
	v6 =	vsel vm13, v58, v6;
	vm13 =	vmand vm8, vm1;
	vm8 =	vmor vm10, vm9  }
0x11a: {  	v42 =	vld [tilespmem:s25+$0xBC00];
	vm1 =	vlt.f32 v3, v36;
	v15 =	vsel vm8, v33, v15;
	v14 =	vsel vm8, v34, v14  }
0x11b: {  	v44 =	vld [tilespmem:s25+$0x11800];
	vm9 =	vmor vm1, vm13;
	vm1 =	veq.f32 v38, v15;
	vm10 =	vlt.s32 v39, v14  }
0x11c: {  	v45 =	vld [tilespmem:s25+$0x11C00];
	v6 =	vsel vm14, v59, v6;
	vm13 =	vlt.f32 v38, v15;
	vm1 =	vmand vm1, vm10  }
0x11d: {  	v47 =	vld [tilespmem:s25+$0x12000];
	v5 =	vsel vm15, v5, v6;
	v6 =	vsel vm0, v41, v46;
	vm2 =	vmor vm13, vm1  }
0x11e: {  	v49 =	vld [tilespmem:s25+$0x10000];
	vm13 =	vnez.u8 v50;
	v8 =	vsel vm2, v38, v15;
	v48 =	vsel vm2, v39, v14  }
0x11f: {  	v51 =	vld [tilespmem:s25+$0x12800];
	v6 =	vsel vm13, v40, v6;
	vm14 =	veq.f32 v42, v8;
	vm15 =	vlt.s32 v43, v48  }
0x120: {  	v52 =	vld [tilespmem:s25+$0x12C00];
	v6 =	vsel vm12, v44, v6;
	vm12 =	vlt.f32 v42, v8;
	vm0 =	vmand vm14, vm15  }
0x121: {  	v53 =	vld [tilespmem:s25+$0x13000];
	v3 =	vsel vm9, v3, v36;
	v6 =	vsel vm11, v45, v6;
	vm0 =	vmor vm12, vm0  }
0x122: {  	v55 =	vld [tilespmem:s25+$0x10400];
	v6 =	vsel vm3, v47, v6;
	v8 =	vsel vm0, v42, v8;
	v54 =	vsel vm0, v43, v48  }
0x123: {  	v56 =	vld [tilespmem:s25+$0x13800];
	v6 =	vsel vm4, v31, v6;
	vm13 =	veq.f32 v32, v8;
	vm14 =	vlt.s32 v49, v54  }
0x124: {  	v57 =	vld [tilespmem:s25+$0x13C00];
	v6 =	vsel vm5, v51, v6;
	vm15 =	vlt.f32 v32, v8;
	vm1 =	vmand vm13, vm14  }
0x125: {  	v58 =	vld [tilespmem:s25+$0x14000];
	v2 =	vsel vm9, v2, v5;
	v59 =	vsel vm6, v52, v6;
	vm1 =	vmor vm15, vm1  }
0x126: {  	v60 =	vld [tilespmem:s25+$0x14400];
	v5 =	vsel vm7, v53, v59;
	v61 =	vsel vm1, v32, v8;
	v62 =	vsel vm1, v49, v54  }
0x127: {  	v5 =	vsel vm8, v11, v5;
	vm10 =	veq.f32 v63, v61;
	vm11 =	vlt.s32 v55, v62  }
0x128: {  	v5 =	vsel vm2, v56, v5;
	vm12 =	vlt.f32 v63, v61;
	vm3 =	vmand vm10, vm11  }
0x129: {  	vm13 =	vlt.f32 v3, $9.999999680e+37;
	v3 =	vsel vm0, v57, v5;
	vm14 =	vmor vm12, vm3  }
0x12a: {  	v2 =	vnsel vm13, $0x0, v2;
	v3 =	vsel vm1, v58, v3;
	v63 =	vsel vm14, v63, v61  }
0x12b: {  	v2 =	vadd.f32 v2, v4;
	v3 =	vsel vm14, v60, v3;
	vm15 =	vlt.f32 v63, $9.999999680e+37  }
0x12c: {  	v3 =	vnsel vm15, $0x0, v3  }
0x12d: {  	s23 =	sadd.s32 $0x1, s23;
	v2 =	vadd.f32 v3, v2  }
0x12e: {  	p0 =	sne.s32 s23, s10  }
.Ltmp5:
0x12f: {  	[tilespmem:$0x14400] =	vst v2;
	(pc) =	sbr.rel @p0 .LBB2_2-.Ltmp5, $4  }
0x130: {  	[hbm4b:s8+s2] =	stream.linear.scatter [tilespmem:s22], [sflag:$0x1], $0x80, $0x38;
	[tilespmem:$0x14480] =	vst v63  }
0x131: {  	_ =	swait.ge [sflag:s13], $0x80  }
0x132: {  	[sflag:s13] =	ssyncset.done $0x0  }
0x133: {  	[sflag:s13] =	ssyncadd.s32 $0xFFFFFF80  }
.LBB2_11:
0x134: {  	_ =	sfence.sel $0x180000  }
0x135: {  	[bflag:$0x0] =	sbarrier.arrive $0xFFFF  }
0x136: {  	p0 =	sne.s32 s1, $0x0;
	_ =	strace $0x90000047  }
0x137: {  	s0 =	sadd.s32 @!p0 $0x100000, s0;
	[bflag:$0x2] =	sbarrier.arrive $0xFFFF  }
0x138: {  	[sflag:s0] =	ssyncadd.tile.s32 @!p0 $0x1;
	_ =	shalt  }
.Lfunc_end2:
_tile_overlayer_lowered:
.L_overlay_start_2:
0x139: {  	(tag) =	ssettag $0x2  }
0x13a: {  	s0 =	rddreg [dreg:$0x0];
	s2 =	stileid.u32  }
0x13b: {  	s1 =	rddreg [dreg:$0x1];
	p0 =	sne.s32 s2, $0x0  }
0x13c: {  	s3 =	rddreg [dreg:$0x2];
	[bflag:$0x3] =	sbarrier.arrive $0xFFFF;
	s2 =	simm.s32 @!p0 $0x1C01  }
0x13d: {  	[timem:s3], [sflag:s2] =	dma.local @!p0 [hbm:s0], s1  }
0x13e: {  	s0 =	simm.s32 @!p0 $0x1  }
0x13f: {  	_ =	swait.ge @!p0 [sflag:s0], s1  }
0x140: {  	s1 =	ssub.s32 @!p0 $0x0, s1;
	[sflag:s0] =	ssyncset.done @!p0 $0x0  }
0x141: {  	[sflag:s0] =	ssyncadd.s32 @!p0 s1  }
0x142: {  	[bflag:$0x3] =	sbarrier.arrive $0xFFFF  }
0x143: {  	_ =	shalt  }

</sc_bundles>
